<compile_context>
chip_gen: v7x
topology: tpu7x:2x2x1
jax: 0.10.2.dev20260603
libtpu: 0.0.44.dev20260713+nightly
codegen_flags: <defaults>
</compile_context>

<pallas_src>
import functools

import jax
import jax.numpy as jnp
from jax import lax
from jax.experimental import pallas as pl
from jax.experimental.pallas import tpu as pltpu
from jax.experimental.pallas import tpu_sc as plsc

T = 32768
V = 100000
D = 64
U = 16
DP = 128

_NC = 2
_NS = 16
_NW = _NC * _NS
_ROWS_PER_W = T // _NW
_CHUNK = 128
_NCHUNK = _ROWS_PER_W // _CHUNK


def _gather_body(table_hbm, idx_hbm, out_hbm, idx_v, rows_a, rows_b,
                 gs0, gs1, os0, os1):
    wid = lax.axis_index("s") * _NC + lax.axis_index("c")
    pltpu.sync_copy(idx_hbm.at[wid], idx_v)
    base = wid * _ROWS_PER_W
    bufs, gsems, osems = (rows_a, rows_b), (gs0, gs1), (os0, os1)
    descs_g = [None] * _NCHUNK
    descs_o = [None] * _NCHUNK
    descs_g[0] = pltpu.async_copy(table_hbm.at[idx_v.at[0]], bufs[0], gsems[0])
    for j in range(_NCHUNK):
        b = j % 2
        if j + 1 < _NCHUNK:
            nb = (j + 1) % 2
            if j >= 1:
                descs_o[j - 1].wait()
            descs_g[j + 1] = pltpu.async_copy(
                table_hbm.at[idx_v.at[j + 1]], bufs[nb], gsems[nb])
        descs_g[j].wait()
        descs_o[j] = pltpu.async_copy(
            bufs[b], out_hbm.at[pl.ds(base + j * _CHUNK, _CHUNK)], osems[b])
    descs_o[_NCHUNK - 2].wait()
    descs_o[_NCHUNK - 1].wait()


def _sc_gather(table, idx):
    mesh = plsc.VectorSubcoreMesh(core_axis_name="c", subcore_axis_name="s")
    k = functools.partial(
        pl.kernel,
        mesh=mesh,
        out_type=jax.ShapeDtypeStruct((T, DP), jnp.float32),
        scratch_types=[
            pltpu.VMEM((_NCHUNK, _CHUNK), jnp.int32),
            pltpu.VMEM((_CHUNK, DP), jnp.float32),
            pltpu.VMEM((_CHUNK, DP), jnp.float32),
            pltpu.SemaphoreType.DMA,
            pltpu.SemaphoreType.DMA,
            pltpu.SemaphoreType.DMA,
            pltpu.SemaphoreType.DMA,
        ],
        compiler_params=pltpu.CompilerParams(use_tc_tiling_on_sc=True),
    )(_gather_body)
    return k(table, idx)


_BC = 16384


def _pad_body(tin_ref, out_ref):
    eye = jnp.eye(D, dtype=jnp.bfloat16)
    t = lax.dot_general(tin_ref[...].astype(jnp.bfloat16), eye,
                        (((0,), (0,)), ((), ())),
                        preferred_element_type=jnp.float32)
    out_ref[...] = jnp.concatenate([t, t], axis=1)


def _pad_table(tbl_t):
    return pl.pallas_call(
        _pad_body,
        grid=(pl.cdiv(V, _BC),),
        in_specs=[pl.BlockSpec((D, _BC), lambda i: (0, i))],
        out_specs=pl.BlockSpec((_BC, DP), lambda i: (i, 0)),
        out_shape=jax.ShapeDtypeStruct((V, DP), jnp.float32),
    )(tbl_t)


_BT = 8192
_GRID = T // _BT


def _morph_body(bnd_ref, emb_ref, m_ref, out_ref):
    g = pl.program_id(0)
    v = emb_ref[...].astype(jnp.bfloat16)
    eye = jnp.eye(DP, dtype=jnp.bfloat16)
    vt = lax.dot_general(eye, v, (((1,), (1,)), ((), ())),
                         preferred_element_type=jnp.float32)
    e_t = vt[:D, :]
    e_bf = e_t.astype(jnp.bfloat16)
    tok = g * _BT + lax.broadcasted_iota(jnp.int32, (1, _BT), 1)
    parts = []
    for u in range(U):
        m_u = jnp.logical_and(tok >= bnd_ref[u], tok < bnd_ref[u + 1])
        parts.append(e_bf * m_u.astype(jnp.bfloat16))
    b_t = jnp.concatenate(parts, axis=0)
    morph_t = lax.dot_general(m_ref[...], b_t, (((1,), (0,)), ((), ())),
                              preferred_element_type=jnp.float32)
    acc = e_t + morph_t
    n = jnp.sqrt(jnp.sum(acc * acc, axis=0, keepdims=True))
    out_ref[...] = acc / jnp.maximum(n, 1e-12)


def _tc_morph(bnd, emb128, m_t, interpret=False):
    grid_spec = pltpu.PrefetchScalarGridSpec(
        num_scalar_prefetch=1,
        grid=(_GRID,),
        in_specs=[
            pl.BlockSpec((_BT, DP), lambda i, bnd: (i, 0)),
            pl.BlockSpec((D, U * D), lambda i, bnd: (0, 0)),
        ],
        out_specs=pl.BlockSpec((D, _BT), lambda i, bnd: (0, i)),
    )
    return pl.pallas_call(
        _morph_body,
        grid_spec=grid_spec,
        out_shape=jax.ShapeDtypeStruct((D, T), jnp.float32),
        interpret=interpret,
    )(bnd, emb128, m_t)


def kernel(novel_items, novel_userids, item_emb, seg2_out):
    idx = novel_items.astype(jnp.int32).reshape(_NW, _NCHUNK, _CHUNK)
    tbl = _pad_table(jnp.transpose(item_emb))
    emb128 = _sc_gather(tbl, idx)
    m_t = jnp.transpose(seg2_out, (2, 0, 1)).reshape(D, U * D).astype(jnp.bfloat16)
    bnd = jnp.searchsorted(
        novel_userids, jnp.arange(U + 1, dtype=novel_userids.dtype)
    ).astype(jnp.int32)
    return jnp.transpose(_tc_morph(bnd, emb128, m_t))

# --- scband reference (transcript-rebuilt; emitter-appended) ---
"""Pipeline reference for scband-segment3-77610059039206 (READ-ONLY COPY).

The authoritative reference and input builder live on the scoring server;
editing this copy changes nothing except your own understanding.
"""

import jax, jax.numpy as jnp
import numpy as np

T = 32768
V = 100000
D = 64
U = 16

def setup_inputs(seed: int = 0) -> dict:
    key = jax.random.key(seed)
    k1, k2, k3, k4 = jax.random.split(key, 4)
    novel_items = jax.random.randint(k1, (T,), 0, V, dtype=jnp.int64) if jax.config.jax_enable_x64 else jax.random.randint(k1, (T,), 0, V).astype(jnp.int32)
    novel_userids = jnp.sort(jax.random.randint(k2, (T,), 0, U).astype(jnp.int32))
    item_emb = jax.random.normal(k3, (V, D), dtype=jnp.float32)
    seg2_out = jax.random.normal(k4, (U, D, D), dtype=jnp.float32)
    return {"novel_items": novel_items, "novel_userids": novel_userids, "item_emb": item_emb, "seg2_out": seg2_out}

def reference(novel_items, novel_userids, item_emb, seg2_out):
    # emb = item_emb[items]  -> gather [T, D]
    emb = jnp.take(item_emb, novel_items, axis=0)
    # exp_morph = seg2_out[exp_ind] -> gather [T, D, D]
    exp_morph = jnp.take(seg2_out, novel_userids, axis=0)
    # torch.bmm(exp_morph.transpose(1, 2), emb.unsqueeze(2)).squeeze(2)
    # = (M^T @ e)_k = sum_d M[t, d, k] * e[t, d]
    morph = jnp.einsum('tdk,td->tk', exp_morph, emb)
    emb_morph = emb + morph
    # F.normalize(emb_morph, p=2, dim=1) with eps=1e-12
    norm = jnp.linalg.norm(emb_morph, ord=2, axis=1, keepdims=True)
    return emb_morph / jnp.maximum(norm, 1e-12)

if __name__ == "__main__":
    import jax
    _d = setup_inputs()
    print(jax.jit(kernel)(*tuple(_d.values())))

</pallas_src>

<mosaic_0001>
#map = affine_map<(d0, d1) -> (0, 0)>
#map1 = affine_map<(d0, d1) -> (0, 0, 0)>
module attributes {stable_mosaic.version = 14 : i64} {
  func.func @_gather_body(%arg0: i32, %arg1: i32, %arg2: memref<100000x128xf32, #tpu.memory_space<hbm>>, %arg3: memref<32x8x128xi32, #tpu.memory_space<hbm>>, %arg4: memref<32768x128xf32, #tpu.memory_space<hbm>>, %arg5: memref<8x128xi32, #tpu.memory_space<vmem>>, %arg6: memref<128x128xf32, #tpu.memory_space<vmem>>, %arg7: memref<128x128xf32, #tpu.memory_space<vmem>>, %arg8: memref<!tpu.dma_semaphore, #tpu.memory_space<semaphore_mem>>, %arg9: memref<!tpu.dma_semaphore, #tpu.memory_space<semaphore_mem>>, %arg10: memref<!tpu.dma_semaphore, #tpu.memory_space<semaphore_mem>>, %arg11: memref<!tpu.dma_semaphore, #tpu.memory_space<semaphore_mem>>) attributes {dimension_semantics = [#tpu.dimension_semantics<core_parallel>, #tpu.dimension_semantics<subcore_parallel>], iteration_bounds = array<i64: 2, 16>, scalar_prefetch = 0 : i64, scratch_operands = 7 : i64, tpu.core_type = #tpu.core_type<sc_vector_subcore>, window_params = [{transform_indices = #map}, {transform_indices = #map1}, {transform_indices = #map}]} {
    %mul3A = arith.constant 2 : i32
    %mul3A_0 = arith.muli %arg1, %mul3A : i32
    %add3A = arith.addi %mul3A_0, %arg0 : i32
    "tpu.region"() ({
      %run_scoped3A = tpu.sem_alloc : memref<!tpu.dma_semaphore, #tpu.memory_space<semaphore_mem>>
      %dma_start3A_193 = arith.constant 0 : i32
      %dma_start3A_194 = arith.constant 0 : i32
      %dma_start3A_195 = tpu.memref_slice %arg3[%add3A, %dma_start3A_193, %dma_start3A_194] : memref<32x8x128xi32, #tpu.memory_space<hbm>> -> memref<1x8x128xi32, #tpu.memory_space<hbm>>
      %dma_start3A_196 = tpu.memref_squeeze %dma_start3A_195 : memref<1x8x128xi32, #tpu.memory_space<hbm>> -> memref<8x128xi32, #tpu.memory_space<hbm>>
      %dma_start3A_197 = arith.constant 0 : i32
      %dma_start3A_198 = arith.constant 0 : i32
      %dma_start3A_199 = tpu.memref_slice %arg3[%add3A, %dma_start3A_197, %dma_start3A_198] : memref<32x8x128xi32, #tpu.memory_space<hbm>> -> memref<1x8x128xi32, #tpu.memory_space<hbm>>
      %dma_start3A_200 = tpu.memref_squeeze %dma_start3A_199 : memref<1x8x128xi32, #tpu.memory_space<hbm>> -> memref<8x128xi32, #tpu.memory_space<hbm>>
      tpu.enqueue_dma source(%dma_start3A_200 : memref<8x128xi32, #tpu.memory_space<hbm>>) target(%arg5 : memref<8x128xi32, #tpu.memory_space<vmem>>) target_semaphore(%run_scoped3A : memref<!tpu.dma_semaphore, #tpu.memory_space<semaphore_mem>>)
      %dma_wait3A_201 = arith.constant 0 : i32
      %dma_wait3A_202 = arith.constant 0 : i32
      %dma_wait3A_203 = tpu.memref_slice %arg3[%add3A, %dma_wait3A_201, %dma_wait3A_202] : memref<32x8x128xi32, #tpu.memory_space<hbm>> -> memref<1x8x128xi32, #tpu.memory_space<hbm>>
      %dma_wait3A_204 = tpu.memref_squeeze %dma_wait3A_203 : memref<1x8x128xi32, #tpu.memory_space<hbm>> -> memref<8x128xi32, #tpu.memory_space<hbm>>
      %dma_wait3A_205 = arith.constant 0 : i32
      %dma_wait3A_206 = arith.constant 0 : i32
      %dma_wait3A_207 = tpu.memref_slice %arg3[%add3A, %dma_wait3A_205, %dma_wait3A_206] : memref<32x8x128xi32, #tpu.memory_space<hbm>> -> memref<1x8x128xi32, #tpu.memory_space<hbm>>
      %dma_wait3A_208 = tpu.memref_squeeze %dma_wait3A_207 : memref<1x8x128xi32, #tpu.memory_space<hbm>> -> memref<8x128xi32, #tpu.memory_space<hbm>>
      tpu.wait_dma2 semaphore(%run_scoped3A : memref<!tpu.dma_semaphore, #tpu.memory_space<semaphore_mem>>) src(%dma_wait3A_208 : memref<8x128xi32, #tpu.memory_space<hbm>>) dst(%arg5 : memref<8x128xi32, #tpu.memory_space<vmem>>)
      tpu.yield
    }) : () -> ()
    %mul3A_1 = arith.constant 1024 : i32
    %mul3A_2 = arith.muli %add3A, %mul3A_1 : i32
    %dma_start3A = arith.constant 0 : i32
    %dma_start3A_3 = arith.constant 0 : i32
    %dma_start3A_4 = tpu.memref_slice %arg5[%dma_start3A, %dma_start3A_3] : memref<8x128xi32, #tpu.memory_space<vmem>> -> memref<1x128xi32, #tpu.memory_space<vmem>>
    %dma_start3A_5 = tpu.memref_squeeze %dma_start3A_4 : memref<1x128xi32, #tpu.memory_space<vmem>> -> memref<128xi32, #tpu.memory_space<vmem>>
    %dma_start3A_6 = arith.constant 0 : i32
    %dma_start3A_7 = arith.constant 0 : i32
    %dma_start3A_8 = tpu.memref_slice %arg2[%dma_start3A_6, %dma_start3A_7] : memref<100000x128xf32, #tpu.memory_space<hbm>> -> memref<100000x128xf32, #tpu.memory_space<hbm>>
    tpu.enqueue_indirect_dma source(%dma_start3A_8 : memref<100000x128xf32, #tpu.memory_space<hbm>>) target(%arg6 : memref<128x128xf32, #tpu.memory_space<vmem>>) offsets(%dma_start3A_5 : memref<128xi32, #tpu.memory_space<vmem>>) semaphore(%arg8 : memref<!tpu.dma_semaphore, #tpu.memory_space<semaphore_mem>>)
    %dma_start3A_9 = arith.constant 1 : i32
    %dma_start3A_10 = arith.constant 0 : i32
    %dma_start3A_11 = tpu.memref_slice %arg5[%dma_start3A_9, %dma_start3A_10] : memref<8x128xi32, #tpu.memory_space<vmem>> -> memref<1x128xi32, #tpu.memory_space<vmem>>
    %dma_start3A_12 = tpu.memref_squeeze %dma_start3A_11 : memref<1x128xi32, #tpu.memory_space<vmem>> -> memref<128xi32, #tpu.memory_space<vmem>>
    %dma_start3A_13 = arith.constant 0 : i32
    %dma_start3A_14 = arith.constant 0 : i32
    %dma_start3A_15 = tpu.memref_slice %arg2[%dma_start3A_13, %dma_start3A_14] : memref<100000x128xf32, #tpu.memory_space<hbm>> -> memref<100000x128xf32, #tpu.memory_space<hbm>>
    tpu.enqueue_indirect_dma source(%dma_start3A_15 : memref<100000x128xf32, #tpu.memory_space<hbm>>) target(%arg7 : memref<128x128xf32, #tpu.memory_space<vmem>>) offsets(%dma_start3A_12 : memref<128xi32, #tpu.memory_space<vmem>>) semaphore(%arg9 : memref<!tpu.dma_semaphore, #tpu.memory_space<semaphore_mem>>)
    %dma_wait3A = arith.constant 0 : i32
    %dma_wait3A_16 = arith.constant 0 : i32
    %dma_wait3A_17 = tpu.memref_slice %arg5[%dma_wait3A, %dma_wait3A_16] : memref<8x128xi32, #tpu.memory_space<vmem>> -> memref<1x128xi32, #tpu.memory_space<vmem>>
    %dma_wait3A_18 = tpu.memref_squeeze %dma_wait3A_17 : memref<1x128xi32, #tpu.memory_space<vmem>> -> memref<128xi32, #tpu.memory_space<vmem>>
    %dma_wait3A_19 = arith.constant 0 : i32
    %dma_wait3A_20 = arith.constant 0 : i32
    %dma_wait3A_21 = tpu.memref_slice %arg2[%dma_wait3A_19, %dma_wait3A_20] : memref<100000x128xf32, #tpu.memory_space<hbm>> -> memref<100000x128xf32, #tpu.memory_space<hbm>>
    tpu.wait_indirect_dma semaphore(%arg8 : memref<!tpu.dma_semaphore, #tpu.memory_space<semaphore_mem>>) src(%dma_wait3A_21 : memref<100000x128xf32, #tpu.memory_space<hbm>>) dst(%arg6 : memref<128x128xf32, #tpu.memory_space<vmem>>)
    %add3A_22 = arith.constant 0 : i32
    %add3A_23 = arith.addi %mul3A_2, %add3A_22 : i32
    %dma_start3A_24 = arith.constant 0 : i32
    %dma_start3A_25 = tpu.memref_slice %arg4[%add3A_23, %dma_start3A_24] : memref<32768x128xf32, #tpu.memory_space<hbm>> -> memref<128x128xf32, #tpu.memory_space<hbm>>
    %dma_start3A_26 = arith.constant 0 : i32
    %dma_start3A_27 = tpu.memref_slice %arg4[%add3A_23, %dma_start3A_26] : memref<32768x128xf32, #tpu.memory_space<hbm>> -> memref<128x128xf32, #tpu.memory_space<hbm>>
    tpu.enqueue_dma source(%arg6 : memref<128x128xf32, #tpu.memory_space<vmem>>) target(%dma_start3A_27 : memref<128x128xf32, #tpu.memory_space<hbm>>) target_semaphore(%arg10 : memref<!tpu.dma_semaphore, #tpu.memory_space<semaphore_mem>>)
    %dma_wait3A_28 = arith.constant 0 : i32
    %dma_wait3A_29 = tpu.memref_slice %arg4[%add3A_23, %dma_wait3A_28] : memref<32768x128xf32, #tpu.memory_space<hbm>> -> memref<128x128xf32, #tpu.memory_space<hbm>>
    %dma_wait3A_30 = arith.constant 0 : i32
    %dma_wait3A_31 = tpu.memref_slice %arg4[%add3A_23, %dma_wait3A_30] : memref<32768x128xf32, #tpu.memory_space<hbm>> -> memref<128x128xf32, #tpu.memory_space<hbm>>
    tpu.wait_dma2 semaphore(%arg10 : memref<!tpu.dma_semaphore, #tpu.memory_space<semaphore_mem>>) src(%arg6 : memref<128x128xf32, #tpu.memory_space<vmem>>) dst(%dma_wait3A_31 : memref<128x128xf32, #tpu.memory_space<hbm>>)
    %dma_start3A_32 = arith.constant 2 : i32
    %dma_start3A_33 = arith.constant 0 : i32
    %dma_start3A_34 = tpu.memref_slice %arg5[%dma_start3A_32, %dma_start3A_33] : memref<8x128xi32, #tpu.memory_space<vmem>> -> memref<1x128xi32, #tpu.memory_space<vmem>>
    %dma_start3A_35 = tpu.memref_squeeze %dma_start3A_34 : memref<1x128xi32, #tpu.memory_space<vmem>> -> memref<128xi32, #tpu.memory_space<vmem>>
    %dma_start3A_36 = arith.constant 0 : i32
    %dma_start3A_37 = arith.constant 0 : i32
    %dma_start3A_38 = tpu.memref_slice %arg2[%dma_start3A_36, %dma_start3A_37] : memref<100000x128xf32, #tpu.memory_space<hbm>> -> memref<100000x128xf32, #tpu.memory_space<hbm>>
    tpu.enqueue_indirect_dma source(%dma_start3A_38 : memref<100000x128xf32, #tpu.memory_space<hbm>>) target(%arg6 : memref<128x128xf32, #tpu.memory_space<vmem>>) offsets(%dma_start3A_35 : memref<128xi32, #tpu.memory_space<vmem>>) semaphore(%arg8 : memref<!tpu.dma_semaphore, #tpu.memory_space<semaphore_mem>>)
    %dma_wait3A_39 = arith.constant 1 : i32
    %dma_wait3A_40 = arith.constant 0 : i32
    %dma_wait3A_41 = tpu.memref_slice %arg5[%dma_wait3A_39, %dma_wait3A_40] : memref<8x128xi32, #tpu.memory_space<vmem>> -> memref<1x128xi32, #tpu.memory_space<vmem>>
    %dma_wait3A_42 = tpu.memref_squeeze %dma_wait3A_41 : memref<1x128xi32, #tpu.memory_space<vmem>> -> memref<128xi32, #tpu.memory_space<vmem>>
    %dma_wait3A_43 = arith.constant 0 : i32
    %dma_wait3A_44 = arith.constant 0 : i32
    %dma_wait3A_45 = tpu.memref_slice %arg2[%dma_wait3A_43, %dma_wait3A_44] : memref<100000x128xf32, #tpu.memory_space<hbm>> -> memref<100000x128xf32, #tpu.memory_space<hbm>>
    tpu.wait_indirect_dma semaphore(%arg9 : memref<!tpu.dma_semaphore, #tpu.memory_space<semaphore_mem>>) src(%dma_wait3A_45 : memref<100000x128xf32, #tpu.memory_space<hbm>>) dst(%arg7 : memref<128x128xf32, #tpu.memory_space<vmem>>)
    %add3A_46 = arith.constant 128 : i32
    %add3A_47 = arith.addi %mul3A_2, %add3A_46 : i32
    %dma_start3A_48 = arith.constant 0 : i32
    %dma_start3A_49 = tpu.memref_slice %arg4[%add3A_47, %dma_start3A_48] : memref<32768x128xf32, #tpu.memory_space<hbm>> -> memref<128x128xf32, #tpu.memory_space<hbm>>
    %dma_start3A_50 = arith.constant 0 : i32
    %dma_start3A_51 = tpu.memref_slice %arg4[%add3A_47, %dma_start3A_50] : memref<32768x128xf32, #tpu.memory_space<hbm>> -> memref<128x128xf32, #tpu.memory_space<hbm>>
    tpu.enqueue_dma source(%arg7 : memref<128x128xf32, #tpu.memory_space<vmem>>) target(%dma_start3A_51 : memref<128x128xf32, #tpu.memory_space<hbm>>) target_semaphore(%arg11 : memref<!tpu.dma_semaphore, #tpu.memory_space<semaphore_mem>>)
    %dma_wait3A_52 = arith.constant 0 : i32
    %dma_wait3A_53 = tpu.memref_slice %arg4[%add3A_47, %dma_wait3A_52] : memref<32768x128xf32, #tpu.memory_space<hbm>> -> memref<128x128xf32, #tpu.memory_space<hbm>>
    %dma_wait3A_54 = arith.constant 0 : i32
    %dma_wait3A_55 = tpu.memref_slice %arg4[%add3A_47, %dma_wait3A_54] : memref<32768x128xf32, #tpu.memory_space<hbm>> -> memref<128x128xf32, #tpu.memory_space<hbm>>
    tpu.wait_dma2 semaphore(%arg11 : memref<!tpu.dma_semaphore, #tpu.memory_space<semaphore_mem>>) src(%arg7 : memref<128x128xf32, #tpu.memory_space<vmem>>) dst(%dma_wait3A_55 : memref<128x128xf32, #tpu.memory_space<hbm>>)
    %dma_start3A_56 = arith.constant 3 : i32
    %dma_start3A_57 = arith.constant 0 : i32
    %dma_start3A_58 = tpu.memref_slice %arg5[%dma_start3A_56, %dma_start3A_57] : memref<8x128xi32, #tpu.memory_space<vmem>> -> memref<1x128xi32, #tpu.memory_space<vmem>>
    %dma_start3A_59 = tpu.memref_squeeze %dma_start3A_58 : memref<1x128xi32, #tpu.memory_space<vmem>> -> memref<128xi32, #tpu.memory_space<vmem>>
    %dma_start3A_60 = arith.constant 0 : i32
    %dma_start3A_61 = arith.constant 0 : i32
    %dma_start3A_62 = tpu.memref_slice %arg2[%dma_start3A_60, %dma_start3A_61] : memref<100000x128xf32, #tpu.memory_space<hbm>> -> memref<100000x128xf32, #tpu.memory_space<hbm>>
    tpu.enqueue_indirect_dma source(%dma_start3A_62 : memref<100000x128xf32, #tpu.memory_space<hbm>>) target(%arg7 : memref<128x128xf32, #tpu.memory_space<vmem>>) offsets(%dma_start3A_59 : memref<128xi32, #tpu.memory_space<vmem>>) semaphore(%arg9 : memref<!tpu.dma_semaphore, #tpu.memory_space<semaphore_mem>>)
    %dma_wait3A_63 = arith.constant 2 : i32
    %dma_wait3A_64 = arith.constant 0 : i32
    %dma_wait3A_65 = tpu.memref_slice %arg5[%dma_wait3A_63, %dma_wait3A_64] : memref<8x128xi32, #tpu.memory_space<vmem>> -> memref<1x128xi32, #tpu.memory_space<vmem>>
    %dma_wait3A_66 = tpu.memref_squeeze %dma_wait3A_65 : memref<1x128xi32, #tpu.memory_space<vmem>> -> memref<128xi32, #tpu.memory_space<vmem>>
    %dma_wait3A_67 = arith.constant 0 : i32
    %dma_wait3A_68 = arith.constant 0 : i32
    %dma_wait3A_69 = tpu.memref_slice %arg2[%dma_wait3A_67, %dma_wait3A_68] : memref<100000x128xf32, #tpu.memory_space<hbm>> -> memref<100000x128xf32, #tpu.memory_space<hbm>>
    tpu.wait_indirect_dma semaphore(%arg8 : memref<!tpu.dma_semaphore, #tpu.memory_space<semaphore_mem>>) src(%dma_wait3A_69 : memref<100000x128xf32, #tpu.memory_space<hbm>>) dst(%arg6 : memref<128x128xf32, #tpu.memory_space<vmem>>)
    %add3A_70 = arith.constant 256 : i32
    %add3A_71 = arith.addi %mul3A_2, %add3A_70 : i32
    %dma_start3A_72 = arith.constant 0 : i32
    %dma_start3A_73 = tpu.memref_slice %arg4[%add3A_71, %dma_start3A_72] : memref<32768x128xf32, #tpu.memory_space<hbm>> -> memref<128x128xf32, #tpu.memory_space<hbm>>
    %dma_start3A_74 = arith.constant 0 : i32
    %dma_start3A_75 = tpu.memref_slice %arg4[%add3A_71, %dma_start3A_74] : memref<32768x128xf32, #tpu.memory_space<hbm>> -> memref<128x128xf32, #tpu.memory_space<hbm>>
    tpu.enqueue_dma source(%arg6 : memref<128x128xf32, #tpu.memory_space<vmem>>) target(%dma_start3A_75 : memref<128x128xf32, #tpu.memory_space<hbm>>) target_semaphore(%arg10 : memref<!tpu.dma_semaphore, #tpu.memory_space<semaphore_mem>>)
    %dma_wait3A_76 = arith.constant 0 : i32
    %dma_wait3A_77 = tpu.memref_slice %arg4[%add3A_71, %dma_wait3A_76] : memref<32768x128xf32, #tpu.memory_space<hbm>> -> memref<128x128xf32, #tpu.memory_space<hbm>>
    %dma_wait3A_78 = arith.constant 0 : i32
    %dma_wait3A_79 = tpu.memref_slice %arg4[%add3A_71, %dma_wait3A_78] : memref<32768x128xf32, #tpu.memory_space<hbm>> -> memref<128x128xf32, #tpu.memory_space<hbm>>
    tpu.wait_dma2 semaphore(%arg10 : memref<!tpu.dma_semaphore, #tpu.memory_space<semaphore_mem>>) src(%arg6 : memref<128x128xf32, #tpu.memory_space<vmem>>) dst(%dma_wait3A_79 : memref<128x128xf32, #tpu.memory_space<hbm>>)
    %dma_start3A_80 = arith.constant 4 : i32
    %dma_start3A_81 = arith.constant 0 : i32
    %dma_start3A_82 = tpu.memref_slice %arg5[%dma_start3A_80, %dma_start3A_81] : memref<8x128xi32, #tpu.memory_space<vmem>> -> memref<1x128xi32, #tpu.memory_space<vmem>>
    %dma_start3A_83 = tpu.memref_squeeze %dma_start3A_82 : memref<1x128xi32, #tpu.memory_space<vmem>> -> memref<128xi32, #tpu.memory_space<vmem>>
    %dma_start3A_84 = arith.constant 0 : i32
    %dma_start3A_85 = arith.constant 0 : i32
    %dma_start3A_86 = tpu.memref_slice %arg2[%dma_start3A_84, %dma_start3A_85] : memref<100000x128xf32, #tpu.memory_space<hbm>> -> memref<100000x128xf32, #tpu.memory_space<hbm>>
    tpu.enqueue_indirect_dma source(%dma_start3A_86 : memref<100000x128xf32, #tpu.memory_space<hbm>>) target(%arg6 : memref<128x128xf32, #tpu.memory_space<vmem>>) offsets(%dma_start3A_83 : memref<128xi32, #tpu.memory_space<vmem>>) semaphore(%arg8 : memref<!tpu.dma_semaphore, #tpu.memory_space<semaphore_mem>>)
    %dma_wait3A_87 = arith.constant 3 : i32
    %dma_wait3A_88 = arith.constant 0 : i32
    %dma_wait3A_89 = tpu.memref_slice %arg5[%dma_wait3A_87, %dma_wait3A_88] : memref<8x128xi32, #tpu.memory_space<vmem>> -> memref<1x128xi32, #tpu.memory_space<vmem>>
    %dma_wait3A_90 = tpu.memref_squeeze %dma_wait3A_89 : memref<1x128xi32, #tpu.memory_space<vmem>> -> memref<128xi32, #tpu.memory_space<vmem>>
    %dma_wait3A_91 = arith.constant 0 : i32
    %dma_wait3A_92 = arith.constant 0 : i32
    %dma_wait3A_93 = tpu.memref_slice %arg2[%dma_wait3A_91, %dma_wait3A_92] : memref<100000x128xf32, #tpu.memory_space<hbm>> -> memref<100000x128xf32, #tpu.memory_space<hbm>>
    tpu.wait_indirect_dma semaphore(%arg9 : memref<!tpu.dma_semaphore, #tpu.memory_space<semaphore_mem>>) src(%dma_wait3A_93 : memref<100000x128xf32, #tpu.memory_space<hbm>>) dst(%arg7 : memref<128x128xf32, #tpu.memory_space<vmem>>)
    %add3A_94 = arith.constant 384 : i32
    %add3A_95 = arith.addi %mul3A_2, %add3A_94 : i32
    %dma_start3A_96 = arith.constant 0 : i32
    %dma_start3A_97 = tpu.memref_slice %arg4[%add3A_95, %dma_start3A_96] : memref<32768x128xf32, #tpu.memory_space<hbm>> -> memref<128x128xf32, #tpu.memory_space<hbm>>
    %dma_start3A_98 = arith.constant 0 : i32
    %dma_start3A_99 = tpu.memref_slice %arg4[%add3A_95, %dma_start3A_98] : memref<32768x128xf32, #tpu.memory_space<hbm>> -> memref<128x128xf32, #tpu.memory_space<hbm>>
    tpu.enqueue_dma source(%arg7 : memref<128x128xf32, #tpu.memory_space<vmem>>) target(%dma_start3A_99 : memref<128x128xf32, #tpu.memory_space<hbm>>) target_semaphore(%arg11 : memref<!tpu.dma_semaphore, #tpu.memory_space<semaphore_mem>>)
    %dma_wait3A_100 = arith.constant 0 : i32
    %dma_wait3A_101 = tpu.memref_slice %arg4[%add3A_95, %dma_wait3A_100] : memref<32768x128xf32, #tpu.memory_space<hbm>> -> memref<128x128xf32, #tpu.memory_space<hbm>>
    %dma_wait3A_102 = arith.constant 0 : i32
    %dma_wait3A_103 = tpu.memref_slice %arg4[%add3A_95, %dma_wait3A_102] : memref<32768x128xf32, #tpu.memory_space<hbm>> -> memref<128x128xf32, #tpu.memory_space<hbm>>
    tpu.wait_dma2 semaphore(%arg11 : memref<!tpu.dma_semaphore, #tpu.memory_space<semaphore_mem>>) src(%arg7 : memref<128x128xf32, #tpu.memory_space<vmem>>) dst(%dma_wait3A_103 : memref<128x128xf32, #tpu.memory_space<hbm>>)
    %dma_start3A_104 = arith.constant 5 : i32
    %dma_start3A_105 = arith.constant 0 : i32
    %dma_start3A_106 = tpu.memref_slice %arg5[%dma_start3A_104, %dma_start3A_105] : memref<8x128xi32, #tpu.memory_space<vmem>> -> memref<1x128xi32, #tpu.memory_space<vmem>>
    %dma_start3A_107 = tpu.memref_squeeze %dma_start3A_106 : memref<1x128xi32, #tpu.memory_space<vmem>> -> memref<128xi32, #tpu.memory_space<vmem>>
    %dma_start3A_108 = arith.constant 0 : i32
    %dma_start3A_109 = arith.constant 0 : i32
    %dma_start3A_110 = tpu.memref_slice %arg2[%dma_start3A_108, %dma_start3A_109] : memref<100000x128xf32, #tpu.memory_space<hbm>> -> memref<100000x128xf32, #tpu.memory_space<hbm>>
    tpu.enqueue_indirect_dma source(%dma_start3A_110 : memref<100000x128xf32, #tpu.memory_space<hbm>>) target(%arg7 : memref<128x128xf32, #tpu.memory_space<vmem>>) offsets(%dma_start3A_107 : memref<128xi32, #tpu.memory_space<vmem>>) semaphore(%arg9 : memref<!tpu.dma_semaphore, #tpu.memory_space<semaphore_mem>>)
    %dma_wait3A_111 = arith.constant 4 : i32
    %dma_wait3A_112 = arith.constant 0 : i32
    %dma_wait3A_113 = tpu.memref_slice %arg5[%dma_wait3A_111, %dma_wait3A_112] : memref<8x128xi32, #tpu.memory_space<vmem>> -> memref<1x128xi32, #tpu.memory_space<vmem>>
    %dma_wait3A_114 = tpu.memref_squeeze %dma_wait3A_113 : memref<1x128xi32, #tpu.memory_space<vmem>> -> memref<128xi32, #tpu.memory_space<vmem>>
    %dma_wait3A_115 = arith.constant 0 : i32
    %dma_wait3A_116 = arith.constant 0 : i32
    %dma_wait3A_117 = tpu.memref_slice %arg2[%dma_wait3A_115, %dma_wait3A_116] : memref<100000x128xf32, #tpu.memory_space<hbm>> -> memref<100000x128xf32, #tpu.memory_space<hbm>>
    tpu.wait_indirect_dma semaphore(%arg8 : memref<!tpu.dma_semaphore, #tpu.memory_space<semaphore_mem>>) src(%dma_wait3A_117 : memref<100000x128xf32, #tpu.memory_space<hbm>>) dst(%arg6 : memref<128x128xf32, #tpu.memory_space<vmem>>)
    %add3A_118 = arith.constant 512 : i32
    %add3A_119 = arith.addi %mul3A_2, %add3A_118 : i32
    %dma_start3A_120 = arith.constant 0 : i32
    %dma_start3A_121 = tpu.memref_slice %arg4[%add3A_119, %dma_start3A_120] : memref<32768x128xf32, #tpu.memory_space<hbm>> -> memref<128x128xf32, #tpu.memory_space<hbm>>
    %dma_start3A_122 = arith.constant 0 : i32
    %dma_start3A_123 = tpu.memref_slice %arg4[%add3A_119, %dma_start3A_122] : memref<32768x128xf32, #tpu.memory_space<hbm>> -> memref<128x128xf32, #tpu.memory_space<hbm>>
    tpu.enqueue_dma source(%arg6 : memref<128x128xf32, #tpu.memory_space<vmem>>) target(%dma_start3A_123 : memref<128x128xf32, #tpu.memory_space<hbm>>) target_semaphore(%arg10 : memref<!tpu.dma_semaphore, #tpu.memory_space<semaphore_mem>>)
    %dma_wait3A_124 = arith.constant 0 : i32
    %dma_wait3A_125 = tpu.memref_slice %arg4[%add3A_119, %dma_wait3A_124] : memref<32768x128xf32, #tpu.memory_space<hbm>> -> memref<128x128xf32, #tpu.memory_space<hbm>>
    %dma_wait3A_126 = arith.constant 0 : i32
    %dma_wait3A_127 = tpu.memref_slice %arg4[%add3A_119, %dma_wait3A_126] : memref<32768x128xf32, #tpu.memory_space<hbm>> -> memref<128x128xf32, #tpu.memory_space<hbm>>
    tpu.wait_dma2 semaphore(%arg10 : memref<!tpu.dma_semaphore, #tpu.memory_space<semaphore_mem>>) src(%arg6 : memref<128x128xf32, #tpu.memory_space<vmem>>) dst(%dma_wait3A_127 : memref<128x128xf32, #tpu.memory_space<hbm>>)
    %dma_start3A_128 = arith.constant 6 : i32
    %dma_start3A_129 = arith.constant 0 : i32
    %dma_start3A_130 = tpu.memref_slice %arg5[%dma_start3A_128, %dma_start3A_129] : memref<8x128xi32, #tpu.memory_space<vmem>> -> memref<1x128xi32, #tpu.memory_space<vmem>>
    %dma_start3A_131 = tpu.memref_squeeze %dma_start3A_130 : memref<1x128xi32, #tpu.memory_space<vmem>> -> memref<128xi32, #tpu.memory_space<vmem>>
    %dma_start3A_132 = arith.constant 0 : i32
    %dma_start3A_133 = arith.constant 0 : i32
    %dma_start3A_134 = tpu.memref_slice %arg2[%dma_start3A_132, %dma_start3A_133] : memref<100000x128xf32, #tpu.memory_space<hbm>> -> memref<100000x128xf32, #tpu.memory_space<hbm>>
    tpu.enqueue_indirect_dma source(%dma_start3A_134 : memref<100000x128xf32, #tpu.memory_space<hbm>>) target(%arg6 : memref<128x128xf32, #tpu.memory_space<vmem>>) offsets(%dma_start3A_131 : memref<128xi32, #tpu.memory_space<vmem>>) semaphore(%arg8 : memref<!tpu.dma_semaphore, #tpu.memory_space<semaphore_mem>>)
    %dma_wait3A_135 = arith.constant 5 : i32
    %dma_wait3A_136 = arith.constant 0 : i32
    %dma_wait3A_137 = tpu.memref_slice %arg5[%dma_wait3A_135, %dma_wait3A_136] : memref<8x128xi32, #tpu.memory_space<vmem>> -> memref<1x128xi32, #tpu.memory_space<vmem>>
    %dma_wait3A_138 = tpu.memref_squeeze %dma_wait3A_137 : memref<1x128xi32, #tpu.memory_space<vmem>> -> memref<128xi32, #tpu.memory_space<vmem>>
    %dma_wait3A_139 = arith.constant 0 : i32
    %dma_wait3A_140 = arith.constant 0 : i32
    %dma_wait3A_141 = tpu.memref_slice %arg2[%dma_wait3A_139, %dma_wait3A_140] : memref<100000x128xf32, #tpu.memory_space<hbm>> -> memref<100000x128xf32, #tpu.memory_space<hbm>>
    tpu.wait_indirect_dma semaphore(%arg9 : memref<!tpu.dma_semaphore, #tpu.memory_space<semaphore_mem>>) src(%dma_wait3A_141 : memref<100000x128xf32, #tpu.memory_space<hbm>>) dst(%arg7 : memref<128x128xf32, #tpu.memory_space<vmem>>)
    %add3A_142 = arith.constant 640 : i32
    %add3A_143 = arith.addi %mul3A_2, %add3A_142 : i32
    %dma_start3A_144 = arith.constant 0 : i32
    %dma_start3A_145 = tpu.memref_slice %arg4[%add3A_143, %dma_start3A_144] : memref<32768x128xf32, #tpu.memory_space<hbm>> -> memref<128x128xf32, #tpu.memory_space<hbm>>
    %dma_start3A_146 = arith.constant 0 : i32
    %dma_start3A_147 = tpu.memref_slice %arg4[%add3A_143, %dma_start3A_146] : memref<32768x128xf32, #tpu.memory_space<hbm>> -> memref<128x128xf32, #tpu.memory_space<hbm>>
    tpu.enqueue_dma source(%arg7 : memref<128x128xf32, #tpu.memory_space<vmem>>) target(%dma_start3A_147 : memref<128x128xf32, #tpu.memory_space<hbm>>) target_semaphore(%arg11 : memref<!tpu.dma_semaphore, #tpu.memory_space<semaphore_mem>>)
    %dma_wait3A_148 = arith.constant 0 : i32
    %dma_wait3A_149 = tpu.memref_slice %arg4[%add3A_143, %dma_wait3A_148] : memref<32768x128xf32, #tpu.memory_space<hbm>> -> memref<128x128xf32, #tpu.memory_space<hbm>>
    %dma_wait3A_150 = arith.constant 0 : i32
    %dma_wait3A_151 = tpu.memref_slice %arg4[%add3A_143, %dma_wait3A_150] : memref<32768x128xf32, #tpu.memory_space<hbm>> -> memref<128x128xf32, #tpu.memory_space<hbm>>
    tpu.wait_dma2 semaphore(%arg11 : memref<!tpu.dma_semaphore, #tpu.memory_space<semaphore_mem>>) src(%arg7 : memref<128x128xf32, #tpu.memory_space<vmem>>) dst(%dma_wait3A_151 : memref<128x128xf32, #tpu.memory_space<hbm>>)
    %dma_start3A_152 = arith.constant 7 : i32
    %dma_start3A_153 = arith.constant 0 : i32
    %dma_start3A_154 = tpu.memref_slice %arg5[%dma_start3A_152, %dma_start3A_153] : memref<8x128xi32, #tpu.memory_space<vmem>> -> memref<1x128xi32, #tpu.memory_space<vmem>>
    %dma_start3A_155 = tpu.memref_squeeze %dma_start3A_154 : memref<1x128xi32, #tpu.memory_space<vmem>> -> memref<128xi32, #tpu.memory_space<vmem>>
    %dma_start3A_156 = arith.constant 0 : i32
    %dma_start3A_157 = arith.constant 0 : i32
    %dma_start3A_158 = tpu.memref_slice %arg2[%dma_start3A_156, %dma_start3A_157] : memref<100000x128xf32, #tpu.memory_space<hbm>> -> memref<100000x128xf32, #tpu.memory_space<hbm>>
    tpu.enqueue_indirect_dma source(%dma_start3A_158 : memref<100000x128xf32, #tpu.memory_space<hbm>>) target(%arg7 : memref<128x128xf32, #tpu.memory_space<vmem>>) offsets(%dma_start3A_155 : memref<128xi32, #tpu.memory_space<vmem>>) semaphore(%arg9 : memref<!tpu.dma_semaphore, #tpu.memory_space<semaphore_mem>>)
    %dma_wait3A_159 = arith.constant 6 : i32
    %dma_wait3A_160 = arith.constant 0 : i32
    %dma_wait3A_161 = tpu.memref_slice %arg5[%dma_wait3A_159, %dma_wait3A_160] : memref<8x128xi32, #tpu.memory_space<vmem>> -> memref<1x128xi32, #tpu.memory_space<vmem>>
    %dma_wait3A_162 = tpu.memref_squeeze %dma_wait3A_161 : memref<1x128xi32, #tpu.memory_space<vmem>> -> memref<128xi32, #tpu.memory_space<vmem>>
    %dma_wait3A_163 = arith.constant 0 : i32
    %dma_wait3A_164 = arith.constant 0 : i32
    %dma_wait3A_165 = tpu.memref_slice %arg2[%dma_wait3A_163, %dma_wait3A_164] : memref<100000x128xf32, #tpu.memory_space<hbm>> -> memref<100000x128xf32, #tpu.memory_space<hbm>>
    tpu.wait_indirect_dma semaphore(%arg8 : memref<!tpu.dma_semaphore, #tpu.memory_space<semaphore_mem>>) src(%dma_wait3A_165 : memref<100000x128xf32, #tpu.memory_space<hbm>>) dst(%arg6 : memref<128x128xf32, #tpu.memory_space<vmem>>)
    %add3A_166 = arith.constant 768 : i32
    %add3A_167 = arith.addi %mul3A_2, %add3A_166 : i32
    %dma_start3A_168 = arith.constant 0 : i32
    %dma_start3A_169 = tpu.memref_slice %arg4[%add3A_167, %dma_start3A_168] : memref<32768x128xf32, #tpu.memory_space<hbm>> -> memref<128x128xf32, #tpu.memory_space<hbm>>
    %dma_start3A_170 = arith.constant 0 : i32
    %dma_start3A_171 = tpu.memref_slice %arg4[%add3A_167, %dma_start3A_170] : memref<32768x128xf32, #tpu.memory_space<hbm>> -> memref<128x128xf32, #tpu.memory_space<hbm>>
    tpu.enqueue_dma source(%arg6 : memref<128x128xf32, #tpu.memory_space<vmem>>) target(%dma_start3A_171 : memref<128x128xf32, #tpu.memory_space<hbm>>) target_semaphore(%arg10 : memref<!tpu.dma_semaphore, #tpu.memory_space<semaphore_mem>>)
    %dma_wait3A_172 = arith.constant 7 : i32
    %dma_wait3A_173 = arith.constant 0 : i32
    %dma_wait3A_174 = tpu.memref_slice %arg5[%dma_wait3A_172, %dma_wait3A_173] : memref<8x128xi32, #tpu.memory_space<vmem>> -> memref<1x128xi32, #tpu.memory_space<vmem>>
    %dma_wait3A_175 = tpu.memref_squeeze %dma_wait3A_174 : memref<1x128xi32, #tpu.memory_space<vmem>> -> memref<128xi32, #tpu.memory_space<vmem>>
    %dma_wait3A_176 = arith.constant 0 : i32
    %dma_wait3A_177 = arith.constant 0 : i32
    %dma_wait3A_178 = tpu.memref_slice %arg2[%dma_wait3A_176, %dma_wait3A_177] : memref<100000x128xf32, #tpu.memory_space<hbm>> -> memref<100000x128xf32, #tpu.memory_space<hbm>>
    tpu.wait_indirect_dma semaphore(%arg9 : memref<!tpu.dma_semaphore, #tpu.memory_space<semaphore_mem>>) src(%dma_wait3A_178 : memref<100000x128xf32, #tpu.memory_space<hbm>>) dst(%arg7 : memref<128x128xf32, #tpu.memory_space<vmem>>)
    %add3A_179 = arith.constant 896 : i32
    %add3A_180 = arith.addi %mul3A_2, %add3A_179 : i32
    %dma_start3A_181 = arith.constant 0 : i32
    %dma_start3A_182 = tpu.memref_slice %arg4[%add3A_180, %dma_start3A_181] : memref<32768x128xf32, #tpu.memory_space<hbm>> -> memref<128x128xf32, #tpu.memory_space<hbm>>
    %dma_start3A_183 = arith.constant 0 : i32
    %dma_start3A_184 = tpu.memref_slice %arg4[%add3A_180, %dma_start3A_183] : memref<32768x128xf32, #tpu.memory_space<hbm>> -> memref<128x128xf32, #tpu.memory_space<hbm>>
    tpu.enqueue_dma source(%arg7 : memref<128x128xf32, #tpu.memory_space<vmem>>) target(%dma_start3A_184 : memref<128x128xf32, #tpu.memory_space<hbm>>) target_semaphore(%arg11 : memref<!tpu.dma_semaphore, #tpu.memory_space<semaphore_mem>>)
    %dma_wait3A_185 = arith.constant 0 : i32
    %dma_wait3A_186 = tpu.memref_slice %arg4[%add3A_167, %dma_wait3A_185] : memref<32768x128xf32, #tpu.memory_space<hbm>> -> memref<128x128xf32, #tpu.memory_space<hbm>>
    %dma_wait3A_187 = arith.constant 0 : i32
    %dma_wait3A_188 = tpu.memref_slice %arg4[%add3A_167, %dma_wait3A_187] : memref<32768x128xf32, #tpu.memory_space<hbm>> -> memref<128x128xf32, #tpu.memory_space<hbm>>
    tpu.wait_dma2 semaphore(%arg10 : memref<!tpu.dma_semaphore, #tpu.memory_space<semaphore_mem>>) src(%arg6 : memref<128x128xf32, #tpu.memory_space<vmem>>) dst(%dma_wait3A_188 : memref<128x128xf32, #tpu.memory_space<hbm>>)
    %dma_wait3A_189 = arith.constant 0 : i32
    %dma_wait3A_190 = tpu.memref_slice %arg4[%add3A_180, %dma_wait3A_189] : memref<32768x128xf32, #tpu.memory_space<hbm>> -> memref<128x128xf32, #tpu.memory_space<hbm>>
    %dma_wait3A_191 = arith.constant 0 : i32
    %dma_wait3A_192 = tpu.memref_slice %arg4[%add3A_180, %dma_wait3A_191] : memref<32768x128xf32, #tpu.memory_space<hbm>> -> memref<128x128xf32, #tpu.memory_space<hbm>>
    tpu.wait_dma2 semaphore(%arg11 : memref<!tpu.dma_semaphore, #tpu.memory_space<semaphore_mem>>) src(%arg7 : memref<128x128xf32, #tpu.memory_space<vmem>>) dst(%dma_wait3A_192 : memref<128x128xf32, #tpu.memory_space<hbm>>)
    return
  }
}

module attributes {stable_mosaic.version = 14 : i64} {
  func.func @_pad_body(%arg0: i32, %arg1: memref<64x16384xf32, #tpu.memory_space<vmem>>, %arg2: memref<16384x128xf32, #tpu.memory_space<vmem>>) attributes {dimension_semantics = [#tpu.dimension_semantics<arbitrary>], iteration_bounds = array<i64: 7>, scalar_prefetch = 0 : i64, scratch_operands = 0 : i64, tpu.core_type = #tpu.core_type<tc>, window_params = [{transform_indices = @transform_0, window_bounds = array<i64: 64, 16384>}, {transform_indices = @transform_1, window_bounds = array<i64: 16384, 128>}]} {
    %iota3A = tpu.iota {dimensions = array<i32: 0>} : vector<64x64xi32>
    %iota3A_0 = tpu.iota {dimensions = array<i32: 1>} : vector<64x64xi32>
    %add3A = arith.constant 0 : i32
    %add3A_1 = vector.broadcast %add3A : i32 to vector<64x64xi32>
    %add3A_2 = arith.addi %iota3A, %add3A_1 : vector<64x64xi32>
    %eq3A = arith.cmpi eq, %add3A_2, %iota3A_0 : vector<64x64xi32>
    %convert_element_type3A = arith.extui %eq3A : vector<64x64xi1> to vector<64x64xi32>
    %convert_element_type3A_3 = arith.sitofp %convert_element_type3A : vector<64x64xi32> to vector<64x64xf32>
    %convert_element_type3A_4 = arith.truncf %convert_element_type3A_3 : vector<64x64xf32> to vector<64x64xbf16>
    %get3A = arith.constant 0 : index
    %get3A_5 = arith.constant 0 : index
    %get3A_6 = vector.load %arg1[%get3A, %get3A_5] : memref<64x16384xf32, #tpu.memory_space<vmem>>, vector<64x16384xf32>
    %convert_element_type3A_7 = arith.truncf %get3A_6 : vector<64x16384xf32> to vector<64x16384xbf16>
    %dot_general3A = arith.constant dense<0.000000e+00> : vector<16384x64xf32>
    %dot_general3A_8 = tpu.matmul %convert_element_type3A_7, %convert_element_type3A_4, %dot_general3A {dimension_numbers = #tpu.dot_dimension_numbers<[0], [0], [1], [1], [0, 1, 1, 1], [], []>, transpose_lhs_hint = false} : vector<64x16384xbf16>, vector<64x64xbf16>, vector<16384x64xf32> -> vector<16384x64xf32>
    %concatenate3A = tpu.concatenate %dot_general3A_8, %dot_general3A_8 in 1 : vector<16384x64xf32>, vector<16384x64xf32> -> vector<16384x128xf32>
    %swap3A = arith.constant 0 : index
    %swap3A_9 = arith.constant 0 : index
    %swap3A_10 = vector.load %arg2[%swap3A, %swap3A_9] : memref<16384x128xf32, #tpu.memory_space<vmem>>, vector<16384x128xf32>
    tpu.vector_store %arg2[%swap3A, %swap3A_9], %concatenate3A {strides = array<i32>} : memref<16384x128xf32, #tpu.memory_space<vmem>>, vector<16384x128xf32>,
    return
  }
  func.func @transform_0(%arg0: i32) -> (i32, i32) {
    %c0_i32 = arith.constant 0 : i32
    %c0_i32_0 = arith.constant 0 : i32
    return %c0_i32, %arg0 : i32, i32
  }
  func.func @transform_1(%arg0: i32) -> (i32, i32) {
    %c0_i32 = arith.constant 0 : i32
    %c0_i32_0 = arith.constant 0 : i32
    return %arg0, %c0_i32 : i32, i32
  }
}

module attributes {stable_mosaic.version = 14 : i64} {
  func.func @_morph_body(%arg0: i32, %arg1: memref<17xi32, #tpu.memory_space<smem>>, %arg2: memref<8192x128xf32, #tpu.memory_space<vmem>>, %arg3: memref<64x1024xbf16, #tpu.memory_space<vmem>>, %arg4: memref<64x8192xf32, #tpu.memory_space<vmem>>) attributes {dimension_semantics = [#tpu.dimension_semantics<arbitrary>], iteration_bounds = array<i64: 4>, scalar_prefetch = 1 : i64, scratch_operands = 0 : i64, tpu.core_type = #tpu.core_type<tc>, window_params = [{transform_indices = @transform_0, window_bounds = array<i64: 8192, 128>}, {pipeline_mode = #tpu.pipeline_mode<synchronous>, transform_indices = @transform_1, window_bounds = array<i64: 64, 1024>}, {transform_indices = @transform_2, window_bounds = array<i64: 64, 8192>}]} {
    %get3A = arith.constant 0 : index
    %get3A_0 = arith.constant 0 : index
    %get3A_1 = vector.load %arg2[%get3A, %get3A_0] : memref<8192x128xf32, #tpu.memory_space<vmem>>, vector<8192x128xf32>
    %convert_element_type3A = arith.truncf %get3A_1 : vector<8192x128xf32> to vector<8192x128xbf16>
    %iota3A = tpu.iota {dimensions = array<i32: 0>} : vector<128x128xi32>
    %iota3A_2 = tpu.iota {dimensions = array<i32: 1>} : vector<128x128xi32>
    %add3A = arith.constant 0 : i32
    %add3A_3 = vector.broadcast %add3A : i32 to vector<128x128xi32>
    %add3A_4 = arith.addi %iota3A, %add3A_3 : vector<128x128xi32>
    %eq3A = arith.cmpi eq, %add3A_4, %iota3A_2 : vector<128x128xi32>
    %convert_element_type3A_5 = arith.extui %eq3A : vector<128x128xi1> to vector<128x128xi32>
    %convert_element_type3A_6 = arith.sitofp %convert_element_type3A_5 : vector<128x128xi32> to vector<128x128xf32>
    %convert_element_type3A_7 = arith.truncf %convert_element_type3A_6 : vector<128x128xf32> to vector<128x128xbf16>
    %dot_general3A = arith.constant dense<0.000000e+00> : vector<128x8192xf32>
    %dot_general3A_8 = tpu.matmul %convert_element_type3A_7, %convert_element_type3A, %dot_general3A {dimension_numbers = #tpu.dot_dimension_numbers<[1], [1], [0], [0], [0, 0, 1, 0], [], []>, transpose_lhs_hint = false} : vector<128x128xbf16>, vector<8192x128xbf16>, vector<128x8192xf32> -> vector<128x8192xf32>
    %slice3A = vector.extract_strided_slice %dot_general3A_8 {offsets = [0, 0], sizes = [64, 8192], strides = [1, 1]} : vector<128x8192xf32> to vector<64x8192xf32>
    %convert_element_type3A_9 = arith.truncf %slice3A : vector<64x8192xf32> to vector<64x8192xbf16>
    %mul3A = arith.constant 8192 : i32
    %mul3A_10 = arith.muli %arg0, %mul3A : i32
    %iota3A_11 = tpu.iota {dimensions = array<i32: 1>} : vector<1x8192xi32>
    %add3A_12 = vector.broadcast %mul3A_10 : i32 to vector<1x8192xi32>
    %add3A_13 = arith.addi %add3A_12, %iota3A_11 : vector<1x8192xi32>
    %get3A_14 = arith.constant 0 : index
    %get3A_15 = memref.load %arg1[%get3A_14] : memref<17xi32, #tpu.memory_space<smem>>
    %ge3A = vector.broadcast %get3A_15 : i32 to vector<1x8192xi32>
    %ge3A_16 = arith.cmpi sge, %add3A_13, %ge3A : vector<1x8192xi32>
    %get3A_17 = arith.constant 1 : index
    %get3A_18 = memref.load %arg1[%get3A_17] : memref<17xi32, #tpu.memory_space<smem>>
    %lt3A = vector.broadcast %get3A_18 : i32 to vector<1x8192xi32>
    %lt3A_19 = arith.cmpi slt, %add3A_13, %lt3A : vector<1x8192xi32>
    %and3A = arith.andi %ge3A_16, %lt3A_19 : vector<1x8192xi1>
    %convert_element_type3A_20 = arith.extui %and3A : vector<1x8192xi1> to vector<1x8192xi32>
    %convert_element_type3A_21 = arith.sitofp %convert_element_type3A_20 : vector<1x8192xi32> to vector<1x8192xf32>
    %convert_element_type3A_22 = arith.truncf %convert_element_type3A_21 : vector<1x8192xf32> to vector<1x8192xbf16>
    %mul3A_23 = vector.broadcast %convert_element_type3A_22 : vector<1x8192xbf16> to vector<64x8192xbf16>
    %mul3A_24 = arith.mulf %convert_element_type3A_9, %mul3A_23 : vector<64x8192xbf16>
    %get3A_25 = arith.constant 1 : index
    %get3A_26 = memref.load %arg1[%get3A_25] : memref<17xi32, #tpu.memory_space<smem>>
    %ge3A_27 = vector.broadcast %get3A_26 : i32 to vector<1x8192xi32>
    %ge3A_28 = arith.cmpi sge, %add3A_13, %ge3A_27 : vector<1x8192xi32>
    %get3A_29 = arith.constant 2 : index
    %get3A_30 = memref.load %arg1[%get3A_29] : memref<17xi32, #tpu.memory_space<smem>>
    %lt3A_31 = vector.broadcast %get3A_30 : i32 to vector<1x8192xi32>
    %lt3A_32 = arith.cmpi slt, %add3A_13, %lt3A_31 : vector<1x8192xi32>
    %and3A_33 = arith.andi %ge3A_28, %lt3A_32 : vector<1x8192xi1>
    %convert_element_type3A_34 = arith.extui %and3A_33 : vector<1x8192xi1> to vector<1x8192xi32>
    %convert_element_type3A_35 = arith.sitofp %convert_element_type3A_34 : vector<1x8192xi32> to vector<1x8192xf32>
    %convert_element_type3A_36 = arith.truncf %convert_element_type3A_35 : vector<1x8192xf32> to vector<1x8192xbf16>
    %mul3A_37 = vector.broadcast %convert_element_type3A_36 : vector<1x8192xbf16> to vector<64x8192xbf16>
    %mul3A_38 = arith.mulf %convert_element_type3A_9, %mul3A_37 : vector<64x8192xbf16>
    %get3A_39 = arith.constant 2 : index
    %get3A_40 = memref.load %arg1[%get3A_39] : memref<17xi32, #tpu.memory_space<smem>>
    %ge3A_41 = vector.broadcast %get3A_40 : i32 to vector<1x8192xi32>
    %ge3A_42 = arith.cmpi sge, %add3A_13, %ge3A_41 : vector<1x8192xi32>
    %get3A_43 = arith.constant 3 : index
    %get3A_44 = memref.load %arg1[%get3A_43] : memref<17xi32, #tpu.memory_space<smem>>
    %lt3A_45 = vector.broadcast %get3A_44 : i32 to vector<1x8192xi32>
    %lt3A_46 = arith.cmpi slt, %add3A_13, %lt3A_45 : vector<1x8192xi32>
    %and3A_47 = arith.andi %ge3A_42, %lt3A_46 : vector<1x8192xi1>
    %convert_element_type3A_48 = arith.extui %and3A_47 : vector<1x8192xi1> to vector<1x8192xi32>
    %convert_element_type3A_49 = arith.sitofp %convert_element_type3A_48 : vector<1x8192xi32> to vector<1x8192xf32>
    %convert_element_type3A_50 = arith.truncf %convert_element_type3A_49 : vector<1x8192xf32> to vector<1x8192xbf16>
    %mul3A_51 = vector.broadcast %convert_element_type3A_50 : vector<1x8192xbf16> to vector<64x8192xbf16>
    %mul3A_52 = arith.mulf %convert_element_type3A_9, %mul3A_51 : vector<64x8192xbf16>
    %get3A_53 = arith.constant 3 : index
    %get3A_54 = memref.load %arg1[%get3A_53] : memref<17xi32, #tpu.memory_space<smem>>
    %ge3A_55 = vector.broadcast %get3A_54 : i32 to vector<1x8192xi32>
    %ge3A_56 = arith.cmpi sge, %add3A_13, %ge3A_55 : vector<1x8192xi32>
    %get3A_57 = arith.constant 4 : index
    %get3A_58 = memref.load %arg1[%get3A_57] : memref<17xi32, #tpu.memory_space<smem>>
    %lt3A_59 = vector.broadcast %get3A_58 : i32 to vector<1x8192xi32>
    %lt3A_60 = arith.cmpi slt, %add3A_13, %lt3A_59 : vector<1x8192xi32>
    %and3A_61 = arith.andi %ge3A_56, %lt3A_60 : vector<1x8192xi1>
    %convert_element_type3A_62 = arith.extui %and3A_61 : vector<1x8192xi1> to vector<1x8192xi32>
    %convert_element_type3A_63 = arith.sitofp %convert_element_type3A_62 : vector<1x8192xi32> to vector<1x8192xf32>
    %convert_element_type3A_64 = arith.truncf %convert_element_type3A_63 : vector<1x8192xf32> to vector<1x8192xbf16>
    %mul3A_65 = vector.broadcast %convert_element_type3A_64 : vector<1x8192xbf16> to vector<64x8192xbf16>
    %mul3A_66 = arith.mulf %convert_element_type3A_9, %mul3A_65 : vector<64x8192xbf16>
    %get3A_67 = arith.constant 4 : index
    %get3A_68 = memref.load %arg1[%get3A_67] : memref<17xi32, #tpu.memory_space<smem>>
    %ge3A_69 = vector.broadcast %get3A_68 : i32 to vector<1x8192xi32>
    %ge3A_70 = arith.cmpi sge, %add3A_13, %ge3A_69 : vector<1x8192xi32>
    %get3A_71 = arith.constant 5 : index
    %get3A_72 = memref.load %arg1[%get3A_71] : memref<17xi32, #tpu.memory_space<smem>>
    %lt3A_73 = vector.broadcast %get3A_72 : i32 to vector<1x8192xi32>
    %lt3A_74 = arith.cmpi slt, %add3A_13, %lt3A_73 : vector<1x8192xi32>
    %and3A_75 = arith.andi %ge3A_70, %lt3A_74 : vector<1x8192xi1>
    %convert_element_type3A_76 = arith.extui %and3A_75 : vector<1x8192xi1> to vector<1x8192xi32>
    %convert_element_type3A_77 = arith.sitofp %convert_element_type3A_76 : vector<1x8192xi32> to vector<1x8192xf32>
    %convert_element_type3A_78 = arith.truncf %convert_element_type3A_77 : vector<1x8192xf32> to vector<1x8192xbf16>
    %mul3A_79 = vector.broadcast %convert_element_type3A_78 : vector<1x8192xbf16> to vector<64x8192xbf16>
    %mul3A_80 = arith.mulf %convert_element_type3A_9, %mul3A_79 : vector<64x8192xbf16>
    %get3A_81 = arith.constant 5 : index
    %get3A_82 = memref.load %arg1[%get3A_81] : memref<17xi32, #tpu.memory_space<smem>>
    %ge3A_83 = vector.broadcast %get3A_82 : i32 to vector<1x8192xi32>
    %ge3A_84 = arith.cmpi sge, %add3A_13, %ge3A_83 : vector<1x8192xi32>
    %get3A_85 = arith.constant 6 : index
    %get3A_86 = memref.load %arg1[%get3A_85] : memref<17xi32, #tpu.memory_space<smem>>
    %lt3A_87 = vector.broadcast %get3A_86 : i32 to vector<1x8192xi32>
    %lt3A_88 = arith.cmpi slt, %add3A_13, %lt3A_87 : vector<1x8192xi32>
    %and3A_89 = arith.andi %ge3A_84, %lt3A_88 : vector<1x8192xi1>
    %convert_element_type3A_90 = arith.extui %and3A_89 : vector<1x8192xi1> to vector<1x8192xi32>
    %convert_element_type3A_91 = arith.sitofp %convert_element_type3A_90 : vector<1x8192xi32> to vector<1x8192xf32>
    %convert_element_type3A_92 = arith.truncf %convert_element_type3A_91 : vector<1x8192xf32> to vector<1x8192xbf16>
    %mul3A_93 = vector.broadcast %convert_element_type3A_92 : vector<1x8192xbf16> to vector<64x8192xbf16>
    %mul3A_94 = arith.mulf %convert_element_type3A_9, %mul3A_93 : vector<64x8192xbf16>
    %get3A_95 = arith.constant 6 : index
    %get3A_96 = memref.load %arg1[%get3A_95] : memref<17xi32, #tpu.memory_space<smem>>
    %ge3A_97 = vector.broadcast %get3A_96 : i32 to vector<1x8192xi32>
    %ge3A_98 = arith.cmpi sge, %add3A_13, %ge3A_97 : vector<1x8192xi32>
    %get3A_99 = arith.constant 7 : index
    %get3A_100 = memref.load %arg1[%get3A_99] : memref<17xi32, #tpu.memory_space<smem>>
    %lt3A_101 = vector.broadcast %get3A_100 : i32 to vector<1x8192xi32>
    %lt3A_102 = arith.cmpi slt, %add3A_13, %lt3A_101 : vector<1x8192xi32>
    %and3A_103 = arith.andi %ge3A_98, %lt3A_102 : vector<1x8192xi1>
    %convert_element_type3A_104 = arith.extui %and3A_103 : vector<1x8192xi1> to vector<1x8192xi32>
    %convert_element_type3A_105 = arith.sitofp %convert_element_type3A_104 : vector<1x8192xi32> to vector<1x8192xf32>
    %convert_element_type3A_106 = arith.truncf %convert_element_type3A_105 : vector<1x8192xf32> to vector<1x8192xbf16>
    %mul3A_107 = vector.broadcast %convert_element_type3A_106 : vector<1x8192xbf16> to vector<64x8192xbf16>
    %mul3A_108 = arith.mulf %convert_element_type3A_9, %mul3A_107 : vector<64x8192xbf16>
    %get3A_109 = arith.constant 7 : index
    %get3A_110 = memref.load %arg1[%get3A_109] : memref<17xi32, #tpu.memory_space<smem>>
    %ge3A_111 = vector.broadcast %get3A_110 : i32 to vector<1x8192xi32>
    %ge3A_112 = arith.cmpi sge, %add3A_13, %ge3A_111 : vector<1x8192xi32>
    %get3A_113 = arith.constant 8 : index
    %get3A_114 = memref.load %arg1[%get3A_113] : memref<17xi32, #tpu.memory_space<smem>>
    %lt3A_115 = vector.broadcast %get3A_114 : i32 to vector<1x8192xi32>
    %lt3A_116 = arith.cmpi slt, %add3A_13, %lt3A_115 : vector<1x8192xi32>
    %and3A_117 = arith.andi %ge3A_112, %lt3A_116 : vector<1x8192xi1>
    %convert_element_type3A_118 = arith.extui %and3A_117 : vector<1x8192xi1> to vector<1x8192xi32>
    %convert_element_type3A_119 = arith.sitofp %convert_element_type3A_118 : vector<1x8192xi32> to vector<1x8192xf32>
    %convert_element_type3A_120 = arith.truncf %convert_element_type3A_119 : vector<1x8192xf32> to vector<1x8192xbf16>
    %mul3A_121 = vector.broadcast %convert_element_type3A_120 : vector<1x8192xbf16> to vector<64x8192xbf16>
    %mul3A_122 = arith.mulf %convert_element_type3A_9, %mul3A_121 : vector<64x8192xbf16>
    %get3A_123 = arith.constant 8 : index
    %get3A_124 = memref.load %arg1[%get3A_123] : memref<17xi32, #tpu.memory_space<smem>>
    %ge3A_125 = vector.broadcast %get3A_124 : i32 to vector<1x8192xi32>
    %ge3A_126 = arith.cmpi sge, %add3A_13, %ge3A_125 : vector<1x8192xi32>
    %get3A_127 = arith.constant 9 : index
    %get3A_128 = memref.load %arg1[%get3A_127] : memref<17xi32, #tpu.memory_space<smem>>
    %lt3A_129 = vector.broadcast %get3A_128 : i32 to vector<1x8192xi32>
    %lt3A_130 = arith.cmpi slt, %add3A_13, %lt3A_129 : vector<1x8192xi32>
    %and3A_131 = arith.andi %ge3A_126, %lt3A_130 : vector<1x8192xi1>
    %convert_element_type3A_132 = arith.extui %and3A_131 : vector<1x8192xi1> to vector<1x8192xi32>
    %convert_element_type3A_133 = arith.sitofp %convert_element_type3A_132 : vector<1x8192xi32> to vector<1x8192xf32>
    %convert_element_type3A_134 = arith.truncf %convert_element_type3A_133 : vector<1x8192xf32> to vector<1x8192xbf16>
    %mul3A_135 = vector.broadcast %convert_element_type3A_134 : vector<1x8192xbf16> to vector<64x8192xbf16>
    %mul3A_136 = arith.mulf %convert_element_type3A_9, %mul3A_135 : vector<64x8192xbf16>
    %get3A_137 = arith.constant 9 : index
    %get3A_138 = memref.load %arg1[%get3A_137] : memref<17xi32, #tpu.memory_space<smem>>
    %ge3A_139 = vector.broadcast %get3A_138 : i32 to vector<1x8192xi32>
    %ge3A_140 = arith.cmpi sge, %add3A_13, %ge3A_139 : vector<1x8192xi32>
    %get3A_141 = arith.constant 10 : index
    %get3A_142 = memref.load %arg1[%get3A_141] : memref<17xi32, #tpu.memory_space<smem>>
    %lt3A_143 = vector.broadcast %get3A_142 : i32 to vector<1x8192xi32>
    %lt3A_144 = arith.cmpi slt, %add3A_13, %lt3A_143 : vector<1x8192xi32>
    %and3A_145 = arith.andi %ge3A_140, %lt3A_144 : vector<1x8192xi1>
    %convert_element_type3A_146 = arith.extui %and3A_145 : vector<1x8192xi1> to vector<1x8192xi32>
    %convert_element_type3A_147 = arith.sitofp %convert_element_type3A_146 : vector<1x8192xi32> to vector<1x8192xf32>
    %convert_element_type3A_148 = arith.truncf %convert_element_type3A_147 : vector<1x8192xf32> to vector<1x8192xbf16>
    %mul3A_149 = vector.broadcast %convert_element_type3A_148 : vector<1x8192xbf16> to vector<64x8192xbf16>
    %mul3A_150 = arith.mulf %convert_element_type3A_9, %mul3A_149 : vector<64x8192xbf16>
    %get3A_151 = arith.constant 10 : index
    %get3A_152 = memref.load %arg1[%get3A_151] : memref<17xi32, #tpu.memory_space<smem>>
    %ge3A_153 = vector.broadcast %get3A_152 : i32 to vector<1x8192xi32>
    %ge3A_154 = arith.cmpi sge, %add3A_13, %ge3A_153 : vector<1x8192xi32>
    %get3A_155 = arith.constant 11 : index
    %get3A_156 = memref.load %arg1[%get3A_155] : memref<17xi32, #tpu.memory_space<smem>>
    %lt3A_157 = vector.broadcast %get3A_156 : i32 to vector<1x8192xi32>
    %lt3A_158 = arith.cmpi slt, %add3A_13, %lt3A_157 : vector<1x8192xi32>
    %and3A_159 = arith.andi %ge3A_154, %lt3A_158 : vector<1x8192xi1>
    %convert_element_type3A_160 = arith.extui %and3A_159 : vector<1x8192xi1> to vector<1x8192xi32>
    %convert_element_type3A_161 = arith.sitofp %convert_element_type3A_160 : vector<1x8192xi32> to vector<1x8192xf32>
    %convert_element_type3A_162 = arith.truncf %convert_element_type3A_161 : vector<1x8192xf32> to vector<1x8192xbf16>
    %mul3A_163 = vector.broadcast %convert_element_type3A_162 : vector<1x8192xbf16> to vector<64x8192xbf16>
    %mul3A_164 = arith.mulf %convert_element_type3A_9, %mul3A_163 : vector<64x8192xbf16>
    %get3A_165 = arith.constant 11 : index
    %get3A_166 = memref.load %arg1[%get3A_165] : memref<17xi32, #tpu.memory_space<smem>>
    %ge3A_167 = vector.broadcast %get3A_166 : i32 to vector<1x8192xi32>
    %ge3A_168 = arith.cmpi sge, %add3A_13, %ge3A_167 : vector<1x8192xi32>
    %get3A_169 = arith.constant 12 : index
    %get3A_170 = memref.load %arg1[%get3A_169] : memref<17xi32, #tpu.memory_space<smem>>
    %lt3A_171 = vector.broadcast %get3A_170 : i32 to vector<1x8192xi32>
    %lt3A_172 = arith.cmpi slt, %add3A_13, %lt3A_171 : vector<1x8192xi32>
    %and3A_173 = arith.andi %ge3A_168, %lt3A_172 : vector<1x8192xi1>
    %convert_element_type3A_174 = arith.extui %and3A_173 : vector<1x8192xi1> to vector<1x8192xi32>
    %convert_element_type3A_175 = arith.sitofp %convert_element_type3A_174 : vector<1x8192xi32> to vector<1x8192xf32>
    %convert_element_type3A_176 = arith.truncf %convert_element_type3A_175 : vector<1x8192xf32> to vector<1x8192xbf16>
    %mul3A_177 = vector.broadcast %convert_element_type3A_176 : vector<1x8192xbf16> to vector<64x8192xbf16>
    %mul3A_178 = arith.mulf %convert_element_type3A_9, %mul3A_177 : vector<64x8192xbf16>
    %get3A_179 = arith.constant 12 : index
    %get3A_180 = memref.load %arg1[%get3A_179] : memref<17xi32, #tpu.memory_space<smem>>
    %ge3A_181 = vector.broadcast %get3A_180 : i32 to vector<1x8192xi32>
    %ge3A_182 = arith.cmpi sge, %add3A_13, %ge3A_181 : vector<1x8192xi32>
    %get3A_183 = arith.constant 13 : index
    %get3A_184 = memref.load %arg1[%get3A_183] : memref<17xi32, #tpu.memory_space<smem>>
    %lt3A_185 = vector.broadcast %get3A_184 : i32 to vector<1x8192xi32>
    %lt3A_186 = arith.cmpi slt, %add3A_13, %lt3A_185 : vector<1x8192xi32>
    %and3A_187 = arith.andi %ge3A_182, %lt3A_186 : vector<1x8192xi1>
    %convert_element_type3A_188 = arith.extui %and3A_187 : vector<1x8192xi1> to vector<1x8192xi32>
    %convert_element_type3A_189 = arith.sitofp %convert_element_type3A_188 : vector<1x8192xi32> to vector<1x8192xf32>
    %convert_element_type3A_190 = arith.truncf %convert_element_type3A_189 : vector<1x8192xf32> to vector<1x8192xbf16>
    %mul3A_191 = vector.broadcast %convert_element_type3A_190 : vector<1x8192xbf16> to vector<64x8192xbf16>
    %mul3A_192 = arith.mulf %convert_element_type3A_9, %mul3A_191 : vector<64x8192xbf16>
    %get3A_193 = arith.constant 13 : index
    %get3A_194 = memref.load %arg1[%get3A_193] : memref<17xi32, #tpu.memory_space<smem>>
    %ge3A_195 = vector.broadcast %get3A_194 : i32 to vector<1x8192xi32>
    %ge3A_196 = arith.cmpi sge, %add3A_13, %ge3A_195 : vector<1x8192xi32>
    %get3A_197 = arith.constant 14 : index
    %get3A_198 = memref.load %arg1[%get3A_197] : memref<17xi32, #tpu.memory_space<smem>>
    %lt3A_199 = vector.broadcast %get3A_198 : i32 to vector<1x8192xi32>
    %lt3A_200 = arith.cmpi slt, %add3A_13, %lt3A_199 : vector<1x8192xi32>
    %and3A_201 = arith.andi %ge3A_196, %lt3A_200 : vector<1x8192xi1>
    %convert_element_type3A_202 = arith.extui %and3A_201 : vector<1x8192xi1> to vector<1x8192xi32>
    %convert_element_type3A_203 = arith.sitofp %convert_element_type3A_202 : vector<1x8192xi32> to vector<1x8192xf32>
    %convert_element_type3A_204 = arith.truncf %convert_element_type3A_203 : vector<1x8192xf32> to vector<1x8192xbf16>
    %mul3A_205 = vector.broadcast %convert_element_type3A_204 : vector<1x8192xbf16> to vector<64x8192xbf16>
    %mul3A_206 = arith.mulf %convert_element_type3A_9, %mul3A_205 : vector<64x8192xbf16>
    %get3A_207 = arith.constant 14 : index
    %get3A_208 = memref.load %arg1[%get3A_207] : memref<17xi32, #tpu.memory_space<smem>>
    %ge3A_209 = vector.broadcast %get3A_208 : i32 to vector<1x8192xi32>
    %ge3A_210 = arith.cmpi sge, %add3A_13, %ge3A_209 : vector<1x8192xi32>
    %get3A_211 = arith.constant 15 : index
    %get3A_212 = memref.load %arg1[%get3A_211] : memref<17xi32, #tpu.memory_space<smem>>
    %lt3A_213 = vector.broadcast %get3A_212 : i32 to vector<1x8192xi32>
    %lt3A_214 = arith.cmpi slt, %add3A_13, %lt3A_213 : vector<1x8192xi32>
    %and3A_215 = arith.andi %ge3A_210, %lt3A_214 : vector<1x8192xi1>
    %convert_element_type3A_216 = arith.extui %and3A_215 : vector<1x8192xi1> to vector<1x8192xi32>
    %convert_element_type3A_217 = arith.sitofp %convert_element_type3A_216 : vector<1x8192xi32> to vector<1x8192xf32>
    %convert_element_type3A_218 = arith.truncf %convert_element_type3A_217 : vector<1x8192xf32> to vector<1x8192xbf16>
    %mul3A_219 = vector.broadcast %convert_element_type3A_218 : vector<1x8192xbf16> to vector<64x8192xbf16>
    %mul3A_220 = arith.mulf %convert_element_type3A_9, %mul3A_219 : vector<64x8192xbf16>
    %get3A_221 = arith.constant 15 : index
    %get3A_222 = memref.load %arg1[%get3A_221] : memref<17xi32, #tpu.memory_space<smem>>
    %ge3A_223 = vector.broadcast %get3A_222 : i32 to vector<1x8192xi32>
    %ge3A_224 = arith.cmpi sge, %add3A_13, %ge3A_223 : vector<1x8192xi32>
    %get3A_225 = arith.constant 16 : index
    %get3A_226 = memref.load %arg1[%get3A_225] : memref<17xi32, #tpu.memory_space<smem>>
    %lt3A_227 = vector.broadcast %get3A_226 : i32 to vector<1x8192xi32>
    %lt3A_228 = arith.cmpi slt, %add3A_13, %lt3A_227 : vector<1x8192xi32>
    %and3A_229 = arith.andi %ge3A_224, %lt3A_228 : vector<1x8192xi1>
    %convert_element_type3A_230 = arith.extui %and3A_229 : vector<1x8192xi1> to vector<1x8192xi32>
    %convert_element_type3A_231 = arith.sitofp %convert_element_type3A_230 : vector<1x8192xi32> to vector<1x8192xf32>
    %convert_element_type3A_232 = arith.truncf %convert_element_type3A_231 : vector<1x8192xf32> to vector<1x8192xbf16>
    %mul3A_233 = vector.broadcast %convert_element_type3A_232 : vector<1x8192xbf16> to vector<64x8192xbf16>
    %mul3A_234 = arith.mulf %convert_element_type3A_9, %mul3A_233 : vector<64x8192xbf16>
    %concatenate3A = tpu.concatenate %mul3A_24, %mul3A_38, %mul3A_52, %mul3A_66, %mul3A_80, %mul3A_94, %mul3A_108, %mul3A_122, %mul3A_136, %mul3A_150, %mul3A_164, %mul3A_178, %mul3A_192, %mul3A_206, %mul3A_220, %mul3A_234 in 0 : vector<64x8192xbf16>, vector<64x8192xbf16>, vector<64x8192xbf16>, vector<64x8192xbf16>, vector<64x8192xbf16>, vector<64x8192xbf16>, vector<64x8192xbf16>, vector<64x8192xbf16>, vector<64x8192xbf16>, vector<64x8192xbf16>, vector<64x8192xbf16>, vector<64x8192xbf16>, vector<64x8192xbf16>, vector<64x8192xbf16>, vector<64x8192xbf16>, vector<64x8192xbf16> -> vector<1024x8192xbf16>
    %get3A_235 = arith.constant 0 : index
    %get3A_236 = arith.constant 0 : index
    %get3A_237 = vector.load %arg3[%get3A_235, %get3A_236] : memref<64x1024xbf16, #tpu.memory_space<vmem>>, vector<64x1024xbf16>
    %dot_general3A_238 = arith.constant dense<0.000000e+00> : vector<64x8192xf32>
    %dot_general3A_239 = tpu.matmul %get3A_237, %concatenate3A, %dot_general3A_238 {dimension_numbers = #tpu.dot_dimension_numbers<[1], [0], [0], [1], [0, 0, 1, 1], [], []>, transpose_lhs_hint = false} : vector<64x1024xbf16>, vector<1024x8192xbf16>, vector<64x8192xf32> -> vector<64x8192xf32>
    %add3A_240 = arith.addf %slice3A, %dot_general3A_239 : vector<64x8192xf32>
    %mul3A_241 = arith.mulf %add3A_240, %add3A_240 : vector<64x8192xf32>
    %reduce_sum3A = arith.constant dense<0.000000e+00> : vector<8192xf32>
    %reduce_sum3A_242 = vector.multi_reduction <add>, %mul3A_241, %reduce_sum3A [0] : vector<64x8192xf32> to vector<8192xf32>
    %broadcast_in_dim3A = vector.shape_cast %reduce_sum3A_242 : vector<8192xf32> to vector<1x8192xf32>
    %sqrt3A = math.sqrt %broadcast_in_dim3A : vector<1x8192xf32>
    %max3A = arith.constant 9.99999996E-13 : f32
    %max3A_243 = vector.broadcast %max3A : f32 to vector<1x8192xf32>
    %max3A_244 = arith.maximumf %sqrt3A, %max3A_243 : vector<1x8192xf32>
    %div3A = vector.broadcast %max3A_244 : vector<1x8192xf32> to vector<64x8192xf32>
    %div3A_245 = arith.divf %add3A_240, %div3A : vector<64x8192xf32>
    %swap3A = arith.constant 0 : index
    %swap3A_246 = arith.constant 0 : index
    %swap3A_247 = vector.load %arg4[%swap3A, %swap3A_246] : memref<64x8192xf32, #tpu.memory_space<vmem>>, vector<64x8192xf32>
    tpu.vector_store %arg4[%swap3A, %swap3A_246], %div3A_245 {strides = array<i32>} : memref<64x8192xf32, #tpu.memory_space<vmem>>, vector<64x8192xf32>,
    return
  }
  func.func @transform_0(%arg0: i32, %arg1: memref<17xi32, #tpu.memory_space<smem>>) -> (i32, i32) {
    %c0_i32 = arith.constant 0 : i32
    %c0_i32_0 = arith.constant 0 : i32
    return %arg0, %c0_i32 : i32, i32
  }
  func.func @transform_1(%arg0: i32, %arg1: memref<17xi32, #tpu.memory_space<smem>>) -> (i32, i32) {
    %c0_i32 = arith.constant 0 : i32
    %c0_i32_0 = arith.constant 0 : i32
    %c0_i32_1 = arith.constant 0 : i32
    return %c0_i32, %c0_i32_0 : i32, i32
  }
  func.func @transform_2(%arg0: i32, %arg1: memref<17xi32, #tpu.memory_space<smem>>) -> (i32, i32) {
    %c0_i32 = arith.constant 0 : i32
    %c0_i32_0 = arith.constant 0 : i32
    return %c0_i32, %arg0 : i32, i32
  }
}

</mosaic_0001>

<sc_bundles>
// kernel: kernel.5.cloned.1.call-start
scs
__scs_entry_jumppad:
0x0: {  	(pc) =	sbr.rel $0x88, $3  }
0x1: {  	(tag) =	ssettag $0x0;
	lr =	simm.s32 $0x1  }
0x2: {  	[smem:$0x3F9D] =	sst lr;
	_ =	strace $0xD0000000  }
0x3: {  	_ = 	snop  }
0x4: {  	_ = 	snop  }
0x5: {  	_ = 	snop  }
0x6: {  	_ = 	snop  }
0x7: {  	_ = 	snop  }
__scs_overlays_trampoline_lowered:
0x8: {  	[smem:$0x3FAC] =	sst s0  }
0x9: {  	[smem:$0x3FAD] =	sst s1  }
0xa: {  	[smem:$0x3FAE] =	sst s2  }
0xb: {  	[smem:$0x3FAF] =	sst s3  }
0xc: {  	[smem:$0x3FB0] =	sst s4  }
0xd: {  	[smem:$0x3FB1] =	sst s5  }
0xe: {  	[smem:$0x3FB2] =	sst s6  }
0xf: {  	[smem:$0x3FB3] =	sst s7  }
0x10: {  	[smem:$0x3FB4] =	sst s8  }
0x11: {  	[smem:$0x3FB5] =	sst s9;
	s0 =	simm.s32 @!p0 $0x0  }
0x12: {  	s1 =	sld [smem:$0x3F9B];
	s0 =	simm.s32 @p0 $0x1  }
0x13: {  	[smem:$0x3FB6] =	sst s0;
	s0 =	simm.s32 @!p1 $0x0  }
0x14: {  	s2 =	sld [smem:$0x3F9A];
	s0 =	simm.s32 @p1 $0x1  }
0x15: {  	[smem:$0x3FB7] =	sst s0;
	s0 =	simm.s32 @!p2 $0x0  }
0x16: {  	s3 =	sld [smem:$0x3FDB];
	s0 =	simm.s32 @p2 $0x1  }
0x17: {  	s4 =	simm.s32 $0x1BF5;
	[smem:$0x3FB9] =	sst s0  }
0x18: {  	s0 =	sld [smem:$0x3F9C];
	_ =	swait.ge [sflag:s4], $0x0  }
0x19: {  	s7 =	sld [smem:$0x3F9D]  }
0x1a: {  	s8 =	sadd.s32 $0xFFFFE003, lr  }
0x1b: {  	s9 =	sadd.s32 $0xFFFFFEF7, lr;
	s5 =	simm.s32 $0xFFFFFFFF;
	p2 =	slt.u32 s8, $0xFFFFF086  }
0x1c: {  	p1 =	slt.u32 s9, $0xF7A;
	s5 =	simm.s32 @!p2 $0x0  }
0x1d: {  	s5 =	simm.s32 @p1 $0x1;
	p0 =	seq.s32 s7, s2  }
0x1e: {  	s7 =	smul.u32 @!p0 $0xF7A, s2;
	p2 =	seq.s32 @!p0 s5, $0x0  }
0x1f: {  	s9 =	smul.u32 $0xF7A, s1;
	s8 =	simm.s32 @!p0 $0x1BF5;
	p2 =	por !p2, p0  }
0x20: {  	[sflag:s8] =	ssyncset.s32 @!p0 $0xFFFFF086;
	s6 =	sadd.s32 @!p0 s3, s7;
	s7 =	simm.s32 @!p0 $0x108  }
0x21: {  	s3 =	sadd.s32 s3, s9;
	s6 =	sadd.s32 @!p0 $0x88, s6;
	s7 =	simm.s32 @p2 $0x1082  }
0x22: {  	[simem:s7], [sflag:s8] =	dma.local @!p0 [hbm:s6], $0xF7A  }
0x23: {  	s9 =	sor.u32 $0xD0000000, s2;
	s6 =	simm.s32 $0x108;
	_ =	swait.ge @!p0 [sflag:s8], $0x0  }
0x24: {  	s3 =	sadd.s32 $0x88, s3;
	s6 =	simm.s32 @!p1 $0x1082;
	[sflag:s4] =	ssyncset.s32 $0xFFFFF086  }
0x25: {  	[simem:s6], [sflag:s4] =	dma.local [hbm:s3], $0xF7A  }
0x26: {  	[smem:$0x3F9D] =	sst s1;
	(tag) =	ssettag s2;
	_ =	strace s9  }
0x27: {  	s1 =	sld [smem:$0x3FAD]  }
0x28: {  	s2 =	sld [smem:$0x3FAE]  }
0x29: {  	s4 =	sld [smem:$0x3FB0]  }
0x2a: {  	p0 =	seq.s32 s5, $0x0;
	s5 =	sld [smem:$0x3FB1]  }
0x2b: {  	s6 =	sld [smem:$0x3FB2]  }
0x2c: {  	s7 =	sld [smem:$0x3FB3]  }
0x2d: {  	s3 =	simm.s32 $0x108;
	s8 =	sld [smem:$0x3FB4]  }
0x2e: {  	s3 =	simm.s32 @!p0 $0x1082;
	s9 =	sld [smem:$0x3FB5]  }
0x2f: {  	lr =	sadd.s32 s0, s3;
	s0 =	sld [smem:$0x3FAC]  }
0x30: {  	s3 =	sld [smem:$0x3FAF]  }
0x31: {  	[smem:$0x3FB8] =	sst s10  }
0x32: {  	s10 =	sld [smem:$0x3FB6];
	_ =	sdelay $0x3  }
0x33: {  	p0 =	seq.s32 s10, $0x1;
	s10 =	sld [smem:$0x3FB8];
	_ =	sdelay $0x3  }
0x34: {  	[smem:$0x3FB8] =	sst s10  }
0x35: {  	s10 =	sld [smem:$0x3FB7];
	_ =	sdelay $0x3  }
0x36: {  	p1 =	seq.s32 s10, $0x1;
	s10 =	sld [smem:$0x3FB8];
	_ =	sdelay $0x3  }
0x37: {  	[smem:$0x3FB8] =	sst s10  }
0x38: {  	s10 =	sld [smem:$0x3FB9]  }
0x39: {  	_ = 	snop;
	(pc) =	sbr.ind lr, $3  }
0x3a: {  	_ = 	snop  }
0x3b: {  	_ = 	snop  }
0x3c: {  	p2 =	seq.s32 s10, $0x1;
	s10 =	sld [smem:$0x3FB8]  }
0x3d: {  	_ =	shalt  }
0x3e: {  	_ =	shalt  }
0x3f: {  	_ =	shalt  }
0x40: {  	_ =	shalt  }
0x41: {  	_ =	shalt  }
0x42: {  	_ =	shalt  }
0x43: {  	_ =	shalt  }
0x44: {  	_ =	shalt  }
0x45: {  	_ =	shalt  }
0x46: {  	_ =	shalt  }
0x47: {  	_ =	shalt  }
0x48: {  	_ =	shalt  }
0x49: {  	_ =	shalt  }
0x4a: {  	_ =	shalt  }
0x4b: {  	_ =	shalt  }
0x4c: {  	_ =	shalt  }
0x4d: {  	_ =	shalt  }
0x4e: {  	_ =	shalt  }
0x4f: {  	_ =	shalt  }
0x50: {  	_ =	shalt  }
0x51: {  	_ =	shalt  }
0x52: {  	_ =	shalt  }
0x53: {  	_ =	shalt  }
0x54: {  	_ =	shalt  }
0x55: {  	_ =	shalt  }
0x56: {  	_ =	shalt  }
0x57: {  	_ =	shalt  }
0x58: {  	_ =	shalt  }
0x59: {  	_ =	shalt  }
0x5a: {  	_ =	shalt  }
0x5b: {  	_ =	shalt  }
0x5c: {  	_ =	shalt  }
0x5d: {  	_ =	shalt  }
0x5e: {  	_ =	shalt  }
0x5f: {  	_ =	shalt  }
0x60: {  	_ =	shalt  }
0x61: {  	_ =	shalt  }
0x62: {  	_ =	shalt  }
0x63: {  	_ =	shalt  }
0x64: {  	_ =	shalt  }
0x65: {  	_ =	shalt  }
0x66: {  	_ =	shalt  }
0x67: {  	_ =	shalt  }
0x68: {  	_ =	shalt  }
0x69: {  	_ =	shalt  }
0x6a: {  	_ =	shalt  }
0x6b: {  	_ =	shalt  }
0x6c: {  	_ =	shalt  }
0x6d: {  	_ =	shalt  }
0x6e: {  	_ =	shalt  }
0x6f: {  	_ =	shalt  }
0x70: {  	_ =	shalt  }
0x71: {  	_ =	shalt  }
0x72: {  	_ =	shalt  }
0x73: {  	_ =	shalt  }
0x74: {  	_ =	shalt  }
0x75: {  	_ =	shalt  }
0x76: {  	_ =	shalt  }
0x77: {  	_ =	shalt  }
0x78: {  	_ =	shalt  }
0x79: {  	_ =	shalt  }
0x7a: {  	_ =	shalt  }
0x7b: {  	_ =	shalt  }
0x7c: {  	_ =	shalt  }
0x7d: {  	_ =	shalt  }
0x7e: {  	_ =	shalt  }
0x7f: {  	_ =	shalt  }
0x80: {  	_ =	shalt  }
0x81: {  	_ =	shalt  }
0x82: {  	_ =	shalt  }
0x83: {  	_ =	shalt  }
0x84: {  	_ =	shalt  }
0x85: {  	_ =	shalt  }
0x86: {  	_ =	shalt  }
0x87: {  	_ =	shalt  }
.Lfunc_end0:
.L_simem_size_0:
called_computation_lowered:
.L_overlay_start_0:
0x88: {  	s2 =	sld [smem:$0x3FD9]  }
0x89: {  	s3 =	sld [smem:$0x3FFE];
	_ =	sdelay $0x1  }
0x8a: {  	s1 =	srdreg.scid  }
0x8b: {  	s0 =	sand.u32 $0x1, s1  }
0x8c: {  	s17 =	sshll.u32 s0, $0xA;
	s2 =	sadd.s32 s3, s2  }
0x8d: {  	s2 =	sadd.s32 s2, s17  }
0x8e: {  	[smem:$0x3FC4] =	sst s2  }
0x8f: {  	_ = 	snop  }
0x90: {  	s2 =	sld [smem:$0x3FC9];
	(tm) =	ssettm $0x1  }
0x91: {  	s18 =	sld [smem:$0x3FFB];
	_ =	sdelay $0x3  }
0x92: {  	_ =	strace s18  }
0x93: {  	s3 =	sld [smem:$0x3FFC];
	_ =	sdelay $0x3  }
0x94: {  	_ =	strace s3  }
0x95: {  	s3 =	sld [smem:$0x3FFD];
	_ =	sdelay $0x3  }
0x96: {  	_ =	strace s3  }
0x97: {  	_ =	strace $0x8FFFFFFF  }
0x98: {  	s19 =	sld [smem:$0x3FDB];
	_ =	sdelay $0x1  }
0x99: {  	s4 =	simm.s32 $_scs_section_size  }
0x9a: {  	s5 =	simm.s32 $_size__tile_overlayer_lowered;
	s6 =	simm.s32 $_tile_overlayer_lowered  }
0x9b: {  	s22 =	simm.s32 $0x1BFF;
	s21 =	sshll.u32 s6, $0x1;
	s3 =	sadd.s32 s4, s19  }
0x9c: {  	s7 =	simm.s32 $0x0;
	s20 =	sshll.u32 s5, $0x1;
	s5 =	sadd.s32 s21, s3  }
0x9d: {  	[timem:s7], [sflag:s22] =	dma.local [hbm:s5], s20  }
0x9e: {  	_ =	swait.ge [sflag:s22], s20  }
0x9f: {  	s4 =	ssub.s32 $0x0, s20;
	[sflag:s22] =	ssyncset.done $0x0  }
0xa0: {  	[sflag:s22] =	ssyncadd.s32 s4;
	_ =	sdelay $0x1  }
0xa1: {  	s23 =	simm.s32 $0x1B8B  }
0xa2: {  	_ =	swait.ge [sflag:s23], $0x1  }
0xa3: {  	[sflag:s23] =	ssyncset.done $0x0  }
0xa4: {  	s25 =	simm.s32 $0x1B8E;
	s24 =	sld [smem:$0x3FFE];
	[sflag:s23] =	ssyncadd.s32 $0xFFFFFFFF  }
0xa5: {  	s26 =	simm.s32 $execute0_lowered;
	[smem:$0x3FD2] =	sst s25  }
0xa6: {  	s5 =	sshll.u32 s26, $0x1;
	_ =	strace $0x80000046;
	[dreg:$0x1] =	wrdreg $0xFFFFFFFF  }
0xa7: {  	s28 =	simm.s32 $_size_execute0_lowered;
	s3 =	sadd.s32 s3, s5;
	[dreg:$0x0] =	wrdreg $0x0  }
0xa8: {  	s5 =	sshll.u32 s28, $0x1;
	[dreg:$0x2] =	wrdreg s3  }
0xa9: {  	[dreg:$0x3] =	wrdreg s5  }
0xaa: {  	[dreg:$0x4] =	wrdreg $0xC0  }
0xab: {  	_ =	task [dreg:s7], $0x5FFFF  }
0xac: {  	[dreg:$0x1] =	wrdreg $0xFFFFFFFF  }
0xad: {  	[dreg:$0x0] =	wrdreg $0x60  }
0xae: {  	[dreg:$0x2] =	wrdreg s24  }
0xaf: {  	[dreg:$0x3] =	wrdreg s2  }
0xb0: {  	[dreg:$0x4] =	wrdreg $0x9  }
0xb1: {  	_ =	task.clear_ibuf [dreg:s7], $0x5FFFF;
	_ =	strace $0x90000046  }
0xb2: {  	s29 =	simm.s32 $0x9;
	_ =	strace $0x80000048  }
0xb3: {  	_ =	swait.ge [sflag:s29], $0x1  }
0xb4: {  	[sflag:s29] =	ssyncadd.s32 $0xFFFFFFFF  }
0xb5: {  	_ =	strace $0x90000048  }
0xb6: {  	_ =	sfence  }
0xb7: {  	s30 =	sld [smem:$0x0];
	_ =	sdelay $0x2  }
0xb8: {  	s31 =	sshll.u32 s1, $0xD;
	s1 =	sshrl.u32 s1, $0x2  }
0xb9: {  	s3 =	sand.u32 $0x4000, s31;
	s1 =	sadd.s32 s1, s30  }
0xba: {  	s0 =	sor.u32 s3, s0;
	s1 =	sshll.u32 s1, $0x11  }
0xbb: {  	s0 =	sor.u32 s1, s0  }
0xbc: {  	s0 =	sadd.s32 $0x8F2B, s0  }
0xbd: {  	[sflag:s0] =	ssyncadd.remote.s32 $0x1  }
0xbe: {  	_ =	sfence.sel $0xFFFF  }
0xbf: {  	[dreg:$0x0] =	wrdreg $0xFFFFFFFF;
	(pc) =	sbr.abs _section_cstart, $3  }
0xc0: {  	[dreg:$0x1] =	wrdreg $0xFFFFFFFF  }
0xc1: {  	_ =	task.clear_ibuf [dreg:s7], $0x2FFFF;
	_ =	strace $0x9FFFFFFF  }
0xc2: {  	(tm) =	ssettm $0x7FFFFFFF  }
0xc3: {  	_ =	shalt  }
tec
execute0_lowered:
.L_overlay_start_1:
0x0: {  	(tag) =	ssettag $0x1  }
0x1: {  	s1 =	srdreg.scid  }
0x2: {  	s10 =	rddreg [dreg:$0x0];
	s0 =	stileid.u32;
	s26 =	sand.u32 $0x1, s1  }
0x3: {  	s3 =	rddreg [dreg:$0x1];
	s4 =	sshll.u32 s0, $0xB;
	s5 =	sshll.u32 s26, $0xA  }
0x4: {  	s2 =	simm.s32 $0x0;
	s1 =	rddreg [dreg:$0x2];
	s11 =	sor.u32 s5, s4  }
0x5: {  	[smem:$0x7FF] =	sst s2;
	s4 =	sshrl.u32 s11, $0x3  }
0x6: {  	_ =	strace $0x80000047;
	s3 =	sadd.s32 s3, s4;
	s4 =	simm.s32 $0x5  }
0x7: {  	[tilespmem:s2], [sflag:$0x5] =	stream.linear.gather [hbm4b:s3+s2], $0x400, $0x38;
	[tilespmem:$0x8400] =	vst v63  }
0x8: {  	_ =	swait.ge [sflag:s4], $0x400  }
0x9: {  	s6 =	simm.s32 $0x80;
	[sflag:s4] =	ssyncset.done $0x0  }
0xa: {  	s7 =	simm.s32 $0x400;
	s5 =	sadd.s32 $0xE00, s10;
	[sflag:s4] =	ssyncadd.s32 $0xFFFFFC00  }
0xb: {  	[tilespmem:s7], [sflag:$0x1] =	stream.indirect.gather [hbm4b:s5+s6], $0x80, s2, s6, $0xb8;
	[tilespmem:$0x8400] =	vst v63  }
0xc: {  	s8 =	simm.s32 $0x4400;
	s9 =	simm.s32 $0x1  }
0xd: {  	[tilespmem:s8], [sflag:$0x2] =	stream.indirect.gather [hbm4b:s5+s6], $0x80, s6, s6, $0xb8;
	[tilespmem:$0x8400] =	vst v63  }
0xe: {  	s11 =	sshll.u32 s11, $0x4;
	_ =	swait.ge [sflag:s9], $0x4000  }
0xf: {  	s28 =	sadd.s32 s11, s10;
	[sflag:s9] =	ssyncset.done $0x0  }
0x10: {  	s11 =	simm.s32 $0x3;
	s10 =	sadd.s32 $0x187800, s28;
	[sflag:s9] =	ssyncadd.s32 $0xFFFFC000  }
0x11: {  	[hbm4b:s10+s2] =	stream.linear.scatter [tilespmem:s7], [sflag:$0x3], $0x4000, $0x38;
	[tilespmem:$0x8400] =	vst v63  }
0x12: {  	_ =	swait.ge [sflag:s11], $0x4000  }
0x13: {  	[sflag:s11] =	ssyncset.done $0x0  }
0x14: {  	s12 =	simm.s32 $0x100;
	s13 =	simm.s32 $0x2;
	[sflag:s11] =	ssyncadd.s32 $0xFFFFC000  }
0x15: {  	[tilespmem:s7], [sflag:$0x1] =	stream.indirect.gather [hbm4b:s5+s6], $0x80, s12, s6, $0xb8;
	[tilespmem:$0x8400] =	vst v63  }
0x16: {  	_ =	swait.ge [sflag:s13], $0x4000  }
0x17: {  	[sflag:s13] =	ssyncset.done $0x0  }
0x18: {  	s14 =	simm.s32 $0x4;
	s15 =	sadd.s32 $0x188000, s28;
	[sflag:s13] =	ssyncadd.s32 $0xFFFFC000  }
0x19: {  	[hbm4b:s15+s2] =	stream.linear.scatter [tilespmem:s8], [sflag:$0x4], $0x4000, $0x38;
	[tilespmem:$0x8400] =	vst v63  }
0x1a: {  	_ =	swait.ge [sflag:s14], $0x4000  }
0x1b: {  	[sflag:s14] =	ssyncset.done $0x0  }
0x1c: {  	s16 =	simm.s32 $0x180;
	[sflag:s14] =	ssyncadd.s32 $0xFFFFC000  }
0x1d: {  	[tilespmem:s8], [sflag:$0x2] =	stream.indirect.gather [hbm4b:s5+s6], $0x80, s16, s6, $0xb8;
	[tilespmem:$0x8400] =	vst v63  }
0x1e: {  	_ =	swait.ge [sflag:s9], $0x4000  }
0x1f: {  	[sflag:s9] =	ssyncset.done $0x0  }
0x20: {  	s17 =	sadd.s32 $0x188800, s28;
	[sflag:s9] =	ssyncadd.s32 $0xFFFFC000  }
0x21: {  	[hbm4b:s17+s2] =	stream.linear.scatter [tilespmem:s7], [sflag:$0x3], $0x4000, $0x38;
	[tilespmem:$0x8400] =	vst v63  }
0x22: {  	_ =	swait.ge [sflag:s11], $0x4000  }
0x23: {  	[sflag:s11] =	ssyncset.done $0x0  }
0x24: {  	s18 =	simm.s32 $0x200;
	[sflag:s11] =	ssyncadd.s32 $0xFFFFC000  }
0x25: {  	[tilespmem:s7], [sflag:$0x1] =	stream.indirect.gather [hbm4b:s5+s6], $0x80, s18, s6, $0xb8;
	[tilespmem:$0x8400] =	vst v63  }
0x26: {  	_ =	swait.ge [sflag:s13], $0x4000  }
0x27: {  	[sflag:s13] =	ssyncset.done $0x0  }
0x28: {  	s19 =	sadd.s32 $0x189000, s28;
	[sflag:s13] =	ssyncadd.s32 $0xFFFFC000  }
0x29: {  	[hbm4b:s19+s2] =	stream.linear.scatter [tilespmem:s8], [sflag:$0x4], $0x4000, $0x38;
	[tilespmem:$0x8400] =	vst v63  }
0x2a: {  	_ =	swait.ge [sflag:s14], $0x4000  }
0x2b: {  	[sflag:s14] =	ssyncset.done $0x0  }
0x2c: {  	s20 =	simm.s32 $0x280;
	[sflag:s14] =	ssyncadd.s32 $0xFFFFC000  }
0x2d: {  	[tilespmem:s8], [sflag:$0x2] =	stream.indirect.gather [hbm4b:s5+s6], $0x80, s20, s6, $0xb8;
	[tilespmem:$0x8400] =	vst v63  }
0x2e: {  	_ =	swait.ge [sflag:s9], $0x4000  }
0x2f: {  	[sflag:s9] =	ssyncset.done $0x0  }
0x30: {  	s21 =	sadd.s32 $0x189800, s28;
	[sflag:s9] =	ssyncadd.s32 $0xFFFFC000  }
0x31: {  	[hbm4b:s21+s2] =	stream.linear.scatter [tilespmem:s7], [sflag:$0x3], $0x4000, $0x38;
	[tilespmem:$0x8400] =	vst v63  }
0x32: {  	_ =	swait.ge [sflag:s11], $0x4000  }
0x33: {  	[sflag:s11] =	ssyncset.done $0x0  }
0x34: {  	s22 =	simm.s32 $0x300;
	[sflag:s11] =	ssyncadd.s32 $0xFFFFC000  }
0x35: {  	[tilespmem:s7], [sflag:$0x1] =	stream.indirect.gather [hbm4b:s5+s6], $0x80, s22, s6, $0xb8;
	[tilespmem:$0x8400] =	vst v63  }
0x36: {  	_ =	swait.ge [sflag:s13], $0x4000  }
0x37: {  	[sflag:s13] =	ssyncset.done $0x0  }
0x38: {  	s23 =	sadd.s32 $0x18A000, s28;
	[sflag:s13] =	ssyncadd.s32 $0xFFFFC000  }
0x39: {  	[hbm4b:s23+s2] =	stream.linear.scatter [tilespmem:s8], [sflag:$0x4], $0x4000, $0x38;
	[tilespmem:$0x8400] =	vst v63  }
0x3a: {  	_ =	swait.ge [sflag:s14], $0x4000  }
0x3b: {  	[sflag:s14] =	ssyncset.done $0x0  }
0x3c: {  	s24 =	simm.s32 $0x380;
	[sflag:s14] =	ssyncadd.s32 $0xFFFFC000  }
0x3d: {  	[tilespmem:s8], [sflag:$0x2] =	stream.indirect.gather [hbm4b:s5+s6], $0x80, s24, s6, $0xb8;
	[tilespmem:$0x8400] =	vst v63  }
0x3e: {  	_ =	swait.ge [sflag:s9], $0x4000  }
0x3f: {  	s29 =	ssub.s32 $0x2, s26;
	s25 =	sadd.s32 $0x18A800, s28;
	[sflag:s9] =	ssyncset.done $0x0  }
0x40: {  	s26 =	sadd.s32 $0x18B000, s28;
	s28 =	sshrl.u32 s29, $0x1;
	[sflag:s9] =	ssyncadd.s32 $0xFFFFC000  }
0x41: {  	[hbm4b:s25+s2] =	stream.linear.scatter [tilespmem:s7], [sflag:$0x3], $0x4000, $0x38;
	[tilespmem:$0x8400] =	vst v63  }
0x42: {  	s28 =	ssub.s32 s29, s28;
	_ =	swait.ge [sflag:s13], $0x4000  }
0x43: {  	s28 =	smax.u32 s28, $0x1;
	[sflag:s13] =	ssyncset.done $0x0  }
0x44: {  	p0 =	sne.s32 s28, $0x1;
	[sflag:s13] =	ssyncadd.s32 $0xFFFFC000  }
0x45: {  	[hbm4b:s26+s2] =	stream.linear.scatter [tilespmem:s8], [sflag:$0x4], $0x4000, $0x38;
	[tilespmem:$0x8400] =	vst v63  }
.Ltmp0:
0x46: {  	_ =	swait.ge [sflag:s11], $0x4000;
	(pc) =	sbr.rel @!p0 .LBB2_2-.Ltmp0, $4  }
0x47: {  	[sflag:s11] =	ssyncset.done $0x0  }
0x48: {  	[sflag:s11] =	ssyncadd.s32 $0xFFFFC000  }
0x49: {  	_ =	swait.ge [sflag:s14], $0x4000  }
0x4a: {  	s28 =	sadd.s32 $0xFFFFFFFF, s28;
	[sflag:s14] =	ssyncset.done $0x0  }
.LBB2_1:
0x4b: {  	p0 =	sne.s32 s28, $0x1;
	s28 =	sadd.s32 $0xFFFFFFFF, s28;
	[sflag:s14] =	ssyncadd.s32 $0xFFFFC000  }
0x4c: {  	[tilespmem:s2], [sflag:$0x5] =	stream.linear.gather [hbm4b:s3+s2], $0x400, $0x38;
	[tilespmem:$0x8400] =	vst v63  }
0x4d: {  	_ =	swait.ge [sflag:s4], $0x400  }
0x4e: {  	[sflag:s4] =	ssyncset.done $0x0  }
0x4f: {  	[sflag:s4] =	ssyncadd.s32 $0xFFFFFC00  }
0x50: {  	[tilespmem:s7], [sflag:$0x1] =	stream.indirect.gather [hbm4b:s5+s6], $0x80, s2, s6, $0xb8;
	[tilespmem:$0x8400] =	vst v63  }
0x51: {  	_ = 	snop  }
0x52: {  	[tilespmem:s8], [sflag:$0x2] =	stream.indirect.gather [hbm4b:s5+s6], $0x80, s6, s6, $0xb8;
	[tilespmem:$0x8400] =	vst v63  }
0x53: {  	_ =	swait.ge [sflag:s9], $0x4000  }
0x54: {  	[sflag:s9] =	ssyncset.done $0x0  }
0x55: {  	[sflag:s9] =	ssyncadd.s32 $0xFFFFC000  }
0x56: {  	[hbm4b:s10+s2] =	stream.linear.scatter [tilespmem:s7], [sflag:$0x3], $0x4000, $0x38;
	[tilespmem:$0x8400] =	vst v63  }
0x57: {  	_ =	swait.ge [sflag:s11], $0x4000  }
0x58: {  	[sflag:s11] =	ssyncset.done $0x0  }
0x59: {  	[sflag:s11] =	ssyncadd.s32 $0xFFFFC000  }
0x5a: {  	[tilespmem:s7], [sflag:$0x1] =	stream.indirect.gather [hbm4b:s5+s6], $0x80, s12, s6, $0xb8;
	[tilespmem:$0x8400] =	vst v63  }
0x5b: {  	_ =	swait.ge [sflag:s13], $0x4000  }
0x5c: {  	[sflag:s13] =	ssyncset.done $0x0  }
0x5d: {  	[sflag:s13] =	ssyncadd.s32 $0xFFFFC000  }
0x5e: {  	[hbm4b:s15+s2] =	stream.linear.scatter [tilespmem:s8], [sflag:$0x4], $0x4000, $0x38;
	[tilespmem:$0x8400] =	vst v63  }
0x5f: {  	_ =	swait.ge [sflag:s14], $0x4000  }
0x60: {  	[sflag:s14] =	ssyncset.done $0x0  }
0x61: {  	[sflag:s14] =	ssyncadd.s32 $0xFFFFC000  }
0x62: {  	[tilespmem:s8], [sflag:$0x2] =	stream.indirect.gather [hbm4b:s5+s6], $0x80, s16, s6, $0xb8;
	[tilespmem:$0x8400] =	vst v63  }
0x63: {  	_ =	swait.ge [sflag:s9], $0x4000  }
0x64: {  	[sflag:s9] =	ssyncset.done $0x0  }
0x65: {  	[sflag:s9] =	ssyncadd.s32 $0xFFFFC000  }
0x66: {  	[hbm4b:s17+s2] =	stream.linear.scatter [tilespmem:s7], [sflag:$0x3], $0x4000, $0x38;
	[tilespmem:$0x8400] =	vst v63  }
0x67: {  	_ =	swait.ge [sflag:s11], $0x4000  }
0x68: {  	[sflag:s11] =	ssyncset.done $0x0  }
0x69: {  	[sflag:s11] =	ssyncadd.s32 $0xFFFFC000  }
0x6a: {  	[tilespmem:s7], [sflag:$0x1] =	stream.indirect.gather [hbm4b:s5+s6], $0x80, s18, s6, $0xb8;
	[tilespmem:$0x8400] =	vst v63  }
0x6b: {  	_ =	swait.ge [sflag:s13], $0x4000  }
0x6c: {  	[sflag:s13] =	ssyncset.done $0x0  }
0x6d: {  	[sflag:s13] =	ssyncadd.s32 $0xFFFFC000  }
0x6e: {  	[hbm4b:s19+s2] =	stream.linear.scatter [tilespmem:s8], [sflag:$0x4], $0x4000, $0x38;
	[tilespmem:$0x8400] =	vst v63  }
0x6f: {  	_ =	swait.ge [sflag:s14], $0x4000  }
0x70: {  	[sflag:s14] =	ssyncset.done $0x0  }
0x71: {  	[sflag:s14] =	ssyncadd.s32 $0xFFFFC000  }
0x72: {  	[tilespmem:s8], [sflag:$0x2] =	stream.indirect.gather [hbm4b:s5+s6], $0x80, s20, s6, $0xb8;
	[tilespmem:$0x8400] =	vst v63  }
0x73: {  	_ =	swait.ge [sflag:s9], $0x4000  }
0x74: {  	[sflag:s9] =	ssyncset.done $0x0  }
0x75: {  	[sflag:s9] =	ssyncadd.s32 $0xFFFFC000  }
0x76: {  	[hbm4b:s21+s2] =	stream.linear.scatter [tilespmem:s7], [sflag:$0x3], $0x4000, $0x38;
	[tilespmem:$0x8400] =	vst v63  }
0x77: {  	_ =	swait.ge [sflag:s11], $0x4000  }
0x78: {  	[sflag:s11] =	ssyncset.done $0x0  }
0x79: {  	[sflag:s11] =	ssyncadd.s32 $0xFFFFC000  }
0x7a: {  	[tilespmem:s7], [sflag:$0x1] =	stream.indirect.gather [hbm4b:s5+s6], $0x80, s22, s6, $0xb8;
	[tilespmem:$0x8400] =	vst v63  }
0x7b: {  	_ =	swait.ge [sflag:s13], $0x4000  }
0x7c: {  	[sflag:s13] =	ssyncset.done $0x0  }
0x7d: {  	[sflag:s13] =	ssyncadd.s32 $0xFFFFC000  }
0x7e: {  	[hbm4b:s23+s2] =	stream.linear.scatter [tilespmem:s8], [sflag:$0x4], $0x4000, $0x38;
	[tilespmem:$0x8400] =	vst v63  }
0x7f: {  	_ =	swait.ge [sflag:s14], $0x4000  }
0x80: {  	[sflag:s14] =	ssyncset.done $0x0  }
0x81: {  	[sflag:s14] =	ssyncadd.s32 $0xFFFFC000  }
0x82: {  	[tilespmem:s8], [sflag:$0x2] =	stream.indirect.gather [hbm4b:s5+s6], $0x80, s24, s6, $0xb8;
	[tilespmem:$0x8400] =	vst v63  }
0x83: {  	_ =	swait.ge [sflag:s9], $0x4000  }
0x84: {  	[sflag:s9] =	ssyncset.done $0x0  }
0x85: {  	[sflag:s9] =	ssyncadd.s32 $0xFFFFC000  }
0x86: {  	[hbm4b:s25+s2] =	stream.linear.scatter [tilespmem:s7], [sflag:$0x3], $0x4000, $0x38;
	[tilespmem:$0x8400] =	vst v63  }
0x87: {  	_ =	swait.ge [sflag:s13], $0x4000  }
0x88: {  	[sflag:s13] =	ssyncset.done $0x0  }
0x89: {  	[sflag:s13] =	ssyncadd.s32 $0xFFFFC000  }
0x8a: {  	[hbm4b:s26+s2] =	stream.linear.scatter [tilespmem:s8], [sflag:$0x4], $0x4000, $0x38;
	[tilespmem:$0x8400] =	vst v63  }
.Ltmp1:
0x8b: {  	_ =	swait.ge [sflag:s11], $0x4000;
	(pc) =	sbr.rel @p0 .LBB2_1-.Ltmp1, $4  }
0x8c: {  	[sflag:s11] =	ssyncset.done $0x0  }
0x8d: {  	[sflag:s11] =	ssyncadd.s32 $0xFFFFC000  }
0x8e: {  	_ =	swait.ge [sflag:s14], $0x4000  }
0x8f: {  	[sflag:s14] =	ssyncset.done $0x0  }
.LBB2_2:
0x90: {  	[sflag:s14] =	ssyncadd.s32 $0xFFFFC000  }
0x91: {  	_ =	sfence.sel $0x180000  }
0x92: {  	[bflag:$0x0] =	sbarrier.arrive $0xFFFF  }
0x93: {  	p0 =	sne.s32 s0, $0x0;
	_ =	strace $0x90000047  }
0x94: {  	s0 =	sadd.s32 @!p0 $0x100000, s1;
	[bflag:$0x2] =	sbarrier.arrive $0xFFFF  }
0x95: {  	[sflag:s0] =	ssyncadd.tile.s32 @!p0 $0x1;
	_ =	shalt  }
.Lfunc_end2:
_tile_overlayer_lowered:
.L_overlay_start_2:
0x96: {  	(tag) =	ssettag $0x2  }
0x97: {  	s0 =	rddreg [dreg:$0x0];
	s2 =	stileid.u32  }
0x98: {  	s1 =	rddreg [dreg:$0x1];
	p0 =	sne.s32 s2, $0x0  }
0x99: {  	s3 =	rddreg [dreg:$0x2];
	[bflag:$0x3] =	sbarrier.arrive $0xFFFF;
	s2 =	simm.s32 @!p0 $0x1C05  }
0x9a: {  	[timem:s3], [sflag:s2] =	dma.local @!p0 [hbm:s0], s1  }
0x9b: {  	s0 =	simm.s32 @!p0 $0x5  }
0x9c: {  	_ =	swait.ge @!p0 [sflag:s0], s1  }
0x9d: {  	s1 =	ssub.s32 @!p0 $0x0, s1;
	[sflag:s0] =	ssyncset.done @!p0 $0x0  }
0x9e: {  	[sflag:s0] =	ssyncadd.s32 @!p0 s1  }
0x9f: {  	[bflag:$0x3] =	sbarrier.arrive $0xFFFF  }
0xa0: {  	_ =	shalt  }

</sc_bundles>
